<compile_context>
chip_gen: v7x
topology: tpu7x:2x2x1
jax: 0.10.2.dev20260603
libtpu: 0.0.44.dev20260713+nightly
codegen_flags: <defaults>
</compile_context>

<pallas_src>
import functools

import jax
import jax.numpy as jnp
from jax import lax
from jax.experimental import pallas as pl
from jax.experimental.pallas import tpu as pltpu
from jax.experimental.pallas import tpu_sc as plsc

NUM_EXPERTS = 8
TOP_K = 2
HIDDEN = 1024
INTER = 512
TOKENS = 2048
SLOTS = TOKENS * TOP_K
TM = 512
M_TILES = SLOTS // TM
G_STEPS = M_TILES + NUM_EXPERTS

NW = 32
SPW = SLOTS // NW
TPW = TOKENS // NW

_NEG = -1e30


def _route_plan_body(hidden_ref, gate_w_ref, bias_ref,
                     out1_ref, out2_ref, out3_ref):
    x = hidden_ref[...]
    logits_te = jax.lax.dot_general(
        x, gate_w_ref[...], (((1,), (1,)), ((), ())),
        preferred_element_type=jnp.float32)
    TB_ = 512
    lt_blocks = []
    for c in range(TOKENS // TB_):
        rr = jax.lax.broadcasted_iota(jnp.int32, (TOKENS, TB_), 0)
        uu = jax.lax.broadcasted_iota(jnp.int32, (TOKENS, TB_), 1) + c * TB_
        idb = (rr == uu).astype(jnp.float32)
        lt_blocks.append(jax.lax.dot_general(
            logits_te, idb, (((0,), (0,)), ((), ())),
            preferred_element_type=jnp.float32,
            precision=jax.lax.Precision.HIGHEST))
    logits = jnp.concatenate(lt_blocks, axis=1)
    s = jax.nn.sigmoid(logits)
    sc = s + bias_ref[...]
    e8 = jax.lax.broadcasted_iota(jnp.int32, (NUM_EXPERTS, TOKENS), 0)
    m0 = jnp.max(sc, axis=0, keepdims=True)
    i0 = jnp.min(jnp.where(sc == m0, e8, NUM_EXPERTS), axis=0, keepdims=True)
    oh0 = (e8 == i0)
    sc2 = jnp.where(oh0, _NEG, sc)
    m1 = jnp.max(sc2, axis=0, keepdims=True)
    i1 = jnp.min(jnp.where(sc2 == m1, e8, NUM_EXPERTS), axis=0, keepdims=True)
    oh1 = (e8 == i1)
    w0 = jnp.sum(jnp.where(oh0, s, 0.0), axis=0, keepdims=True)
    w1 = jnp.sum(jnp.where(oh1, s, 0.0), axis=0, keepdims=True)
    norm = w0 + w1 + 1e-6
    w0n = w0 / norm
    w1n = w1 / norm

    oh0f = oh0.astype(jnp.float32)
    oh1f = oh1.astype(jnp.float32)

    CB = 512
    r0_blocks, r1_blocks = [], []
    for c in range(TOKENS // CB):
        tp = jax.lax.broadcasted_iota(jnp.int32, (TOKENS, CB), 0)
        tc = jax.lax.broadcasted_iota(jnp.int32, (TOKENS, CB), 1) + c * CB
        u = (tp < tc).astype(jnp.float32)
        r0_blocks.append(jax.lax.dot_general(
            oh0f, u, (((1,), (0,)), ((), ())),
            preferred_element_type=jnp.float32))
        r1_blocks.append(jax.lax.dot_general(
            oh1f, u, (((1,), (0,)), ((), ())),
            preferred_element_type=jnp.float32))
    r0 = jnp.concatenate(r0_blocks, axis=1)
    r1 = jnp.concatenate(r1_blocks, axis=1)

    c0 = jnp.sum(oh0f, axis=1, keepdims=True)
    c1 = jnp.sum(oh1f, axis=1, keepdims=True)
    cnt = c0 + c1
    er = jax.lax.broadcasted_iota(jnp.int32, (NUM_EXPERTS, NUM_EXPERTS), 0)
    ec = jax.lax.broadcasted_iota(jnp.int32, (NUM_EXPERTS, NUM_EXPERTS), 1)
    lt = (ec < er).astype(jnp.float32)
    le = (ec <= er).astype(jnp.float32)
    offs = jax.lax.dot_general(lt, cnt, (((1,), (0,)), ((), ())),
                               preferred_element_type=jnp.float32,
                               precision=jax.lax.Precision.HIGHEST)

    pos0 = jnp.sum(oh0f * (offs + r0), axis=0, keepdims=True)
    pos1 = jnp.sum(oh1f * (offs + c0 + r1), axis=0, keepdims=True)
    pad = jnp.zeros((4, TOKENS), jnp.float32)
    out1_ref[...] = jnp.concatenate([w0n, w1n, pos0, pos1, pad], axis=0)

    tmf = float(TM)
    start = offs
    end = offs + cnt
    t_lo = jnp.minimum(jnp.floor(start / tmf), float(M_TILES - 1))
    t_hi = jnp.maximum(t_lo, jnp.ceil(end / tmf) - 1.0)
    c_e = jnp.where(cnt > 0, t_hi - t_lo + 1.0, 1.0)
    cumc = jax.lax.dot_general(le, c_e, (((1,), (0,)), ((), ())),
                               preferred_element_type=jnp.float32,
                               precision=jax.lax.Precision.HIGHEST)
    cumx = cumc - c_e
    gf = jax.lax.broadcasted_iota(jnp.int32, (1, 128), 1).astype(jnp.float32)
    gid = jnp.minimum(
        jnp.sum((cumc <= gf).astype(jnp.float32), axis=0, keepdims=True),
        float(NUM_EXPERTS - 1))
    e81 = jax.lax.broadcasted_iota(jnp.int32, (NUM_EXPERTS, 128), 0)
    ohg = (e81 == gid.astype(jnp.int32)).astype(jnp.float32)
    t_lo_g = jnp.sum(ohg * t_lo, axis=0, keepdims=True)
    exc_g = jnp.sum(ohg * cumx, axis=0, keepdims=True)
    ptot = jnp.sum(c_e)
    valid = (gf < ptot).astype(jnp.float32)
    mt = jnp.where(valid > 0, t_lo_g + (gf - exc_g), float(M_TILES - 1))
    gidv = jnp.where(valid > 0, gid, float(NUM_EXPERTS - 1))
    offs_row = (jnp.sum((e81 == gf.astype(jnp.int32)).astype(jnp.float32)
                        * start, axis=0, keepdims=True)
                + (gf == float(NUM_EXPERTS)) * float(SLOTS))
    pad2 = jnp.zeros((4, 128), jnp.float32)
    out2_ref[...] = jnp.concatenate(
        [offs_row, gidv, mt, valid, pad2], axis=0).astype(jnp.int32)

    ws = jnp.concatenate([w0n, w1n, jnp.zeros((6, TOKENS), jnp.float32)],
                         axis=0)
    RB = 512
    col_blocks = []
    for b in range(TOKENS // RB):
        rb = jax.lax.broadcasted_iota(jnp.int32, (RB, TOKENS), 0) + b * RB
        cb = jax.lax.broadcasted_iota(jnp.int32, (RB, TOKENS), 1)
        idb = (rb == cb).astype(jnp.float32)
        col_blocks.append(jax.lax.dot_general(
            idb, ws, (((1,), (1,)), ((), ())),
            preferred_element_type=jnp.float32,
            precision=jax.lax.Precision.HIGHEST))
    out3_ref[...] = jnp.concatenate(col_blocks, axis=0)


def _route_plan(hidden_states, gate_w, expert_bias):
    return pl.pallas_call(
        _route_plan_body,
        out_shape=[
            jax.ShapeDtypeStruct((8, TOKENS), jnp.float32),
            jax.ShapeDtypeStruct((8, 128), jnp.int32),
            jax.ShapeDtypeStruct((TOKENS, NUM_EXPERTS), jnp.float32),
        ],
    )(hidden_states, gate_w, expert_bias.reshape(NUM_EXPERTS, 1))


def _sc_mesh():
    return plsc.VectorSubcoreMesh(core_axis_name="c", subcore_axis_name="s")


def _scatter_sorted(pos, hidden_states):
    @functools.partial(
        pl.kernel,
        mesh=_sc_mesh(),
        out_type=jax.ShapeDtypeStruct((SLOTS, HIDDEN), jnp.float32),
        scratch_types=[
            pltpu.VMEM((64,), jnp.int32),
            pltpu.VMEM((64,), jnp.int32),
            pltpu.VMEM((64, HIDDEN), jnp.float32),
            pltpu.SemaphoreType.DMA,
        ],
    )
    def k2(pos_hbm, hid_hbm, xs_hbm, p_a, p_b, rows_v, sem):
        wid = lax.axis_index("s") * 2 + lax.axis_index("c")
        jb = pl.multiple_of(wid * SPW, SPW)
        t0 = pl.multiple_of(jb & (TOKENS - 1), 64)
        pltpu.sync_copy(pos_hbm.at[pl.ds(jb, 64)], p_a)
        pltpu.sync_copy(pos_hbm.at[pl.ds(jb + 64, 64)], p_b)
        pltpu.sync_copy(hid_hbm.at[pl.ds(t0, 64)], rows_v)
        pltpu.async_copy(rows_v, xs_hbm.at[p_a], sem).wait()
        pltpu.sync_copy(hid_hbm.at[pl.ds(t0 + 64, 64)], rows_v)
        pltpu.async_copy(rows_v, xs_hbm.at[p_b], sem).wait()

    return k2(pos, hidden_states)


def _gmm_body(mt_ref, gid_ref, off_ref, val_ref,
              xs_ref, gup_ref, down_ref, y_ref):
    g = pl.program_id(0)
    e = gid_ref[g]
    mt = mt_ref[g]
    x = xs_ref[...].astype(jnp.bfloat16)
    gu = jax.lax.dot_general(
        x, gup_ref[0].astype(jnp.bfloat16), (((1,), (1,)), ((), ())),
        preferred_element_type=jnp.float32)
    gate = gu[:, :INTER]
    up = gu[:, INTER:]
    act = (gate * jax.nn.sigmoid(gate)) * up
    r = jax.lax.broadcasted_iota(jnp.int32, (TM, 1), 0) + mt * TM
    keep = (r >= off_ref[e]) & (r < off_ref[e + 1]) & (val_ref[g] > 0)
    act = (act * keep.astype(jnp.float32)).astype(jnp.bfloat16)
    eo = jax.lax.dot_general(
        act, down_ref[0].astype(jnp.bfloat16), (((1,), (1,)), ((), ())),
        preferred_element_type=jnp.float32)
    first = (g == 0) | (mt != mt_ref[jnp.maximum(g - 1, 0)])
    y_ref[...] = jnp.where(first, 0.0, y_ref[...]) + eo


def _grouped_mlp(mt, gid, off, valid, xs, gate_up_proj, down_proj):
    grid_spec = pltpu.PrefetchScalarGridSpec(
        num_scalar_prefetch=4,
        grid=(G_STEPS,),
        in_specs=[
            pl.BlockSpec((TM, HIDDEN), lambda g, mt, gid, off, val: (mt[g], 0)),
            pl.BlockSpec((1, 2 * INTER, HIDDEN),
                         lambda g, mt, gid, off, val: (gid[g], 0, 0)),
            pl.BlockSpec((1, HIDDEN, INTER),
                         lambda g, mt, gid, off, val: (gid[g], 0, 0)),
        ],
        out_specs=pl.BlockSpec((TM, HIDDEN),
                               lambda g, mt, gid, off, val: (mt[g], 0)),
    )
    return pl.pallas_call(
        _gmm_body,
        grid_spec=grid_spec,
        out_shape=jax.ShapeDtypeStruct((SLOTS, HIDDEN), jnp.float32),
    )(mt, gid, off, valid, xs, gate_up_proj, down_proj)


def _gather_pair(pos, y):
    @functools.partial(
        pl.kernel,
        mesh=_sc_mesh(),
        out_type=[
            jax.ShapeDtypeStruct((TOKENS, HIDDEN), jnp.float32),
            jax.ShapeDtypeStruct((TOKENS, HIDDEN), jnp.float32),
        ],
        scratch_types=[
            pltpu.VMEM((64,), jnp.int32),
            pltpu.VMEM((64,), jnp.int32),
            pltpu.VMEM((64, HIDDEN), jnp.float32),
            pltpu.SemaphoreType.DMA,
        ],
    )
    def k4a(pos_hbm, y_hbm, a_hbm, b_hbm, p0_v, p1_v, rows_v, sem):
        wid = lax.axis_index("s") * 2 + lax.axis_index("c")
        t0 = pl.multiple_of(wid * TPW, TPW)
        pltpu.sync_copy(pos_hbm.at[pl.ds(t0, 64)], p0_v)
        pltpu.sync_copy(pos_hbm.at[pl.ds(TOKENS + t0, 64)], p1_v)
        pltpu.async_copy(y_hbm.at[p0_v], rows_v, sem).wait()
        pltpu.sync_copy(rows_v, a_hbm.at[pl.ds(t0, 64)])
        pltpu.async_copy(y_hbm.at[p1_v], rows_v, sem).wait()
        pltpu.sync_copy(rows_v, b_hbm.at[pl.ds(t0, 64)])

    return k4a(pos, y)


def _combine_body(a_ref, b_ref, w_ref, out_ref):
    w = w_ref[...]
    out_ref[...] = a_ref[...] * w[:, 0:1] + b_ref[...] * w[:, 1:2]


def _combine(a, b, wcols):
    TB = 256
    return pl.pallas_call(
        _combine_body,
        grid=(TOKENS // TB,),
        in_specs=[
            pl.BlockSpec((TB, HIDDEN), lambda i: (i, 0)),
            pl.BlockSpec((TB, HIDDEN), lambda i: (i, 0)),
            pl.BlockSpec((TB, NUM_EXPERTS), lambda i: (i, 0)),
        ],
        out_specs=pl.BlockSpec((TB, HIDDEN), lambda i: (i, 0)),
        out_shape=jax.ShapeDtypeStruct((TOKENS, HIDDEN), jnp.float32),
    )(a, b, wcols)


@jax.jit
def kernel(hidden_states, gate_w, expert_bias, gate_up_proj, down_proj):
    meta1, meta2, wcols = _route_plan(hidden_states, gate_w, expert_bias)
    pos = meta1[2:4].reshape(SLOTS).astype(jnp.int32)
    off = meta2[0, :16]
    gid = meta2[1, :G_STEPS]
    mt = meta2[2, :G_STEPS]
    valid = meta2[3, :G_STEPS]
    xs = _scatter_sorted(pos, hidden_states)
    y = _grouped_mlp(mt, gid, off, valid, xs, gate_up_proj, down_proj)
    a, b = _gather_pair(pos, y)
    return _combine(a, b, wcols)

# --- scband reference (transcript-rebuilt; emitter-appended) ---
"""Pipeline reference for scband-lfm2-moe-sparse-moe-block-41205916238390 (READ-ONLY COPY).

The authoritative reference and input builder live on the scoring server;
editing this copy changes nothing except your own understanding.
"""

import jax, jax.numpy as jnp
import numpy as np

NUM_EXPERTS = 8
TOP_K = 2
HIDDEN = 1024
INTER = 512
TOKENS = 2048
ROUTED_SCALE = 1.0


def setup_inputs(seed: int = 0) -> dict:
    key = jax.random.key(seed)
    k1, k2, k3, k4, k5 = jax.random.split(key, 5)
    hidden_states = jax.random.normal(k1, (TOKENS, HIDDEN), dtype=jnp.float32)
    gate_w = jax.random.normal(k2, (NUM_EXPERTS, HIDDEN), dtype=jnp.float32) * (HIDDEN ** -0.5)
    expert_bias = jax.random.normal(k3, (NUM_EXPERTS,), dtype=jnp.float32) * 0.02
    gate_up_proj = jax.random.normal(k4, (NUM_EXPERTS, 2 * INTER, HIDDEN), dtype=jnp.float32) * (HIDDEN ** -0.5)
    down_proj = jax.random.normal(k5, (NUM_EXPERTS, HIDDEN, INTER), dtype=jnp.float32) * (INTER ** -0.5)
    return {
        'hidden_states': hidden_states,
        'gate_w': gate_w,
        'expert_bias': expert_bias,
        'gate_up_proj': gate_up_proj,
        'down_proj': down_proj,
    }


def reference(hidden_states, gate_w, expert_bias, gate_up_proj, down_proj):
    # router: ReplicatedLinear gate -> logits
    router_logits = hidden_states @ gate_w.T
    # sigmoid scoring
    routing_weights = jax.nn.sigmoid(router_logits)
    # expert bias affects selection only, not weighting
    scores_for_routing = routing_weights + expert_bias[None, :].astype(routing_weights.dtype)
    _, selected_experts = jax.lax.top_k(scores_for_routing, TOP_K)
    routing_weights = jnp.take_along_axis(routing_weights, selected_experts, axis=1).astype(router_logits.dtype)
    # norm_topk_prob
    routing_weights = routing_weights / (routing_weights.sum(axis=-1, keepdims=True) + 1e-06)
    routing_weights = routing_weights * ROUTED_SCALE
    # naive dense expert loop with masking (CUDA-graph-safe style)
    final_hidden_states = jnp.zeros_like(hidden_states)
    for expert_idx in range(NUM_EXPERTS):
        expert_mask = (selected_experts == expert_idx)
        token_weights = (routing_weights * expert_mask).sum(axis=1)
        gate_up = hidden_states @ gate_up_proj[expert_idx].T
        gate, up = jnp.split(gate_up, 2, axis=-1)
        expert_out = jax.nn.silu(gate) * up
        expert_out = expert_out @ down_proj[expert_idx].T
        weighted_out = expert_out * token_weights[:, None]
        final_hidden_states = final_hidden_states + weighted_out
    return final_hidden_states

if __name__ == "__main__":
    import jax
    _d = setup_inputs()
    print(jax.jit(kernel)(*tuple(_d.values())))

</pallas_src>

<mosaic_0001>
#map = affine_map<(d0, d1) -> (0)>
#map1 = affine_map<(d0, d1) -> (0, 0)>
module attributes {stable_mosaic.version = 14 : i64} {
  func.func @k4a(%arg0: i32, %arg1: i32, %arg2: memref<4096xi32, #tpu.memory_space<hbm>>, %arg3: memref<4096x1024xf32, #tpu.memory_space<hbm>>, %arg4: memref<2048x1024xf32, #tpu.memory_space<hbm>>, %arg5: memref<2048x1024xf32, #tpu.memory_space<hbm>>, %arg6: memref<64xi32, #tpu.memory_space<vmem>>, %arg7: memref<64xi32, #tpu.memory_space<vmem>>, %arg8: memref<64x1024xf32, #tpu.memory_space<vmem>>, %arg9: memref<!tpu.dma_semaphore, #tpu.memory_space<semaphore_mem>>) attributes {dimension_semantics = [#tpu.dimension_semantics<core_parallel>, #tpu.dimension_semantics<subcore_parallel>], iteration_bounds = array<i64: 2, 16>, scalar_prefetch = 0 : i64, scratch_operands = 4 : i64, tpu.core_type = #tpu.core_type<sc_vector_subcore>, window_params = [{transform_indices = #map}, {transform_indices = #map1}, {transform_indices = #map1}, {transform_indices = #map1}]} {
    %mul3A = arith.constant 2 : i32
    %mul3A_0 = arith.muli %arg1, %mul3A : i32
    %add3A = arith.addi %mul3A_0, %arg0 : i32
    %mul3A_1 = arith.constant 64 : i32
    %mul3A_2 = arith.muli %add3A, %mul3A_1 : i32
    %multiple_of3A = tpu.assume_multiple %mul3A_2, 64 : i32
    "tpu.region"() ({
      %run_scoped3A = tpu.sem_alloc : memref<!tpu.dma_semaphore, #tpu.memory_space<semaphore_mem>>
      %dma_start3A_15 = tpu.memref_slice %arg2[%multiple_of3A] : memref<4096xi32, #tpu.memory_space<hbm>> -> memref<64xi32, #tpu.memory_space<hbm>>
      %dma_start3A_16 = tpu.memref_slice %arg2[%multiple_of3A] : memref<4096xi32, #tpu.memory_space<hbm>> -> memref<64xi32, #tpu.memory_space<hbm>>
      tpu.enqueue_dma source(%dma_start3A_16 : memref<64xi32, #tpu.memory_space<hbm>>) target(%arg6 : memref<64xi32, #tpu.memory_space<vmem>>) target_semaphore(%run_scoped3A : memref<!tpu.dma_semaphore, #tpu.memory_space<semaphore_mem>>)
      %dma_wait3A_17 = tpu.memref_slice %arg2[%multiple_of3A] : memref<4096xi32, #tpu.memory_space<hbm>> -> memref<64xi32, #tpu.memory_space<hbm>>
      %dma_wait3A_18 = tpu.memref_slice %arg2[%multiple_of3A] : memref<4096xi32, #tpu.memory_space<hbm>> -> memref<64xi32, #tpu.memory_space<hbm>>
      tpu.wait_dma2 semaphore(%run_scoped3A : memref<!tpu.dma_semaphore, #tpu.memory_space<semaphore_mem>>) src(%dma_wait3A_18 : memref<64xi32, #tpu.memory_space<hbm>>) dst(%arg6 : memref<64xi32, #tpu.memory_space<vmem>>)
      tpu.yield
    }) : () -> ()
    %add3A_3 = arith.constant 2048 : i32
    %add3A_4 = arith.addi %add3A_3, %multiple_of3A : i32
    "tpu.region"() ({
      %run_scoped3A = tpu.sem_alloc : memref<!tpu.dma_semaphore, #tpu.memory_space<semaphore_mem>>
      %dma_start3A_15 = tpu.memref_slice %arg2[%add3A_4] : memref<4096xi32, #tpu.memory_space<hbm>> -> memref<64xi32, #tpu.memory_space<hbm>>
      %dma_start3A_16 = tpu.memref_slice %arg2[%add3A_4] : memref<4096xi32, #tpu.memory_space<hbm>> -> memref<64xi32, #tpu.memory_space<hbm>>
      tpu.enqueue_dma source(%dma_start3A_16 : memref<64xi32, #tpu.memory_space<hbm>>) target(%arg7 : memref<64xi32, #tpu.memory_space<vmem>>) target_semaphore(%run_scoped3A : memref<!tpu.dma_semaphore, #tpu.memory_space<semaphore_mem>>)
      %dma_wait3A_17 = tpu.memref_slice %arg2[%add3A_4] : memref<4096xi32, #tpu.memory_space<hbm>> -> memref<64xi32, #tpu.memory_space<hbm>>
      %dma_wait3A_18 = tpu.memref_slice %arg2[%add3A_4] : memref<4096xi32, #tpu.memory_space<hbm>> -> memref<64xi32, #tpu.memory_space<hbm>>
      tpu.wait_dma2 semaphore(%run_scoped3A : memref<!tpu.dma_semaphore, #tpu.memory_space<semaphore_mem>>) src(%dma_wait3A_18 : memref<64xi32, #tpu.memory_space<hbm>>) dst(%arg7 : memref<64xi32, #tpu.memory_space<vmem>>)
      tpu.yield
    }) : () -> ()
    %dma_start3A = arith.constant 0 : i32
    %dma_start3A_5 = arith.constant 0 : i32
    %dma_start3A_6 = tpu.memref_slice %arg3[%dma_start3A, %dma_start3A_5] : memref<4096x1024xf32, #tpu.memory_space<hbm>> -> memref<4096x1024xf32, #tpu.memory_space<hbm>>
    tpu.enqueue_indirect_dma source(%dma_start3A_6 : memref<4096x1024xf32, #tpu.memory_space<hbm>>) target(%arg8 : memref<64x1024xf32, #tpu.memory_space<vmem>>) offsets(%arg6 : memref<64xi32, #tpu.memory_space<vmem>>) semaphore(%arg9 : memref<!tpu.dma_semaphore, #tpu.memory_space<semaphore_mem>>)
    %dma_wait3A = arith.constant 0 : i32
    %dma_wait3A_7 = arith.constant 0 : i32
    %dma_wait3A_8 = tpu.memref_slice %arg3[%dma_wait3A, %dma_wait3A_7] : memref<4096x1024xf32, #tpu.memory_space<hbm>> -> memref<4096x1024xf32, #tpu.memory_space<hbm>>
    tpu.wait_indirect_dma semaphore(%arg9 : memref<!tpu.dma_semaphore, #tpu.memory_space<semaphore_mem>>) src(%dma_wait3A_8 : memref<4096x1024xf32, #tpu.memory_space<hbm>>) dst(%arg8 : memref<64x1024xf32, #tpu.memory_space<vmem>>)
    "tpu.region"() ({
      %run_scoped3A = tpu.sem_alloc : memref<!tpu.dma_semaphore, #tpu.memory_space<semaphore_mem>>
      %dma_start3A_15 = arith.constant 0 : i32
      %dma_start3A_16 = tpu.memref_slice %arg4[%multiple_of3A, %dma_start3A_15] : memref<2048x1024xf32, #tpu.memory_space<hbm>> -> memref<64x1024xf32, #tpu.memory_space<hbm>>
      %dma_start3A_17 = arith.constant 0 : i32
      %dma_start3A_18 = tpu.memref_slice %arg4[%multiple_of3A, %dma_start3A_17] : memref<2048x1024xf32, #tpu.memory_space<hbm>> -> memref<64x1024xf32, #tpu.memory_space<hbm>>
      tpu.enqueue_dma source(%arg8 : memref<64x1024xf32, #tpu.memory_space<vmem>>) target(%dma_start3A_18 : memref<64x1024xf32, #tpu.memory_space<hbm>>) target_semaphore(%run_scoped3A : memref<!tpu.dma_semaphore, #tpu.memory_space<semaphore_mem>>)
      %dma_wait3A_19 = arith.constant 0 : i32
      %dma_wait3A_20 = tpu.memref_slice %arg4[%multiple_of3A, %dma_wait3A_19] : memref<2048x1024xf32, #tpu.memory_space<hbm>> -> memref<64x1024xf32, #tpu.memory_space<hbm>>
      %dma_wait3A_21 = arith.constant 0 : i32
      %dma_wait3A_22 = tpu.memref_slice %arg4[%multiple_of3A, %dma_wait3A_21] : memref<2048x1024xf32, #tpu.memory_space<hbm>> -> memref<64x1024xf32, #tpu.memory_space<hbm>>
      tpu.wait_dma2 semaphore(%run_scoped3A : memref<!tpu.dma_semaphore, #tpu.memory_space<semaphore_mem>>) src(%arg8 : memref<64x1024xf32, #tpu.memory_space<vmem>>) dst(%dma_wait3A_22 : memref<64x1024xf32, #tpu.memory_space<hbm>>)
      tpu.yield
    }) : () -> ()
    %dma_start3A_9 = arith.constant 0 : i32
    %dma_start3A_10 = arith.constant 0 : i32
    %dma_start3A_11 = tpu.memref_slice %arg3[%dma_start3A_9, %dma_start3A_10] : memref<4096x1024xf32, #tpu.memory_space<hbm>> -> memref<4096x1024xf32, #tpu.memory_space<hbm>>
    tpu.enqueue_indirect_dma source(%dma_start3A_11 : memref<4096x1024xf32, #tpu.memory_space<hbm>>) target(%arg8 : memref<64x1024xf32, #tpu.memory_space<vmem>>) offsets(%arg7 : memref<64xi32, #tpu.memory_space<vmem>>) semaphore(%arg9 : memref<!tpu.dma_semaphore, #tpu.memory_space<semaphore_mem>>)
    %dma_wait3A_12 = arith.constant 0 : i32
    %dma_wait3A_13 = arith.constant 0 : i32
    %dma_wait3A_14 = tpu.memref_slice %arg3[%dma_wait3A_12, %dma_wait3A_13] : memref<4096x1024xf32, #tpu.memory_space<hbm>> -> memref<4096x1024xf32, #tpu.memory_space<hbm>>
    tpu.wait_indirect_dma semaphore(%arg9 : memref<!tpu.dma_semaphore, #tpu.memory_space<semaphore_mem>>) src(%dma_wait3A_14 : memref<4096x1024xf32, #tpu.memory_space<hbm>>) dst(%arg8 : memref<64x1024xf32, #tpu.memory_space<vmem>>)
    "tpu.region"() ({
      %run_scoped3A = tpu.sem_alloc : memref<!tpu.dma_semaphore, #tpu.memory_space<semaphore_mem>>
      %dma_start3A_15 = arith.constant 0 : i32
      %dma_start3A_16 = tpu.memref_slice %arg5[%multiple_of3A, %dma_start3A_15] : memref<2048x1024xf32, #tpu.memory_space<hbm>> -> memref<64x1024xf32, #tpu.memory_space<hbm>>
      %dma_start3A_17 = arith.constant 0 : i32
      %dma_start3A_18 = tpu.memref_slice %arg5[%multiple_of3A, %dma_start3A_17] : memref<2048x1024xf32, #tpu.memory_space<hbm>> -> memref<64x1024xf32, #tpu.memory_space<hbm>>
      tpu.enqueue_dma source(%arg8 : memref<64x1024xf32, #tpu.memory_space<vmem>>) target(%dma_start3A_18 : memref<64x1024xf32, #tpu.memory_space<hbm>>) target_semaphore(%run_scoped3A : memref<!tpu.dma_semaphore, #tpu.memory_space<semaphore_mem>>)
      %dma_wait3A_19 = arith.constant 0 : i32
      %dma_wait3A_20 = tpu.memref_slice %arg5[%multiple_of3A, %dma_wait3A_19] : memref<2048x1024xf32, #tpu.memory_space<hbm>> -> memref<64x1024xf32, #tpu.memory_space<hbm>>
      %dma_wait3A_21 = arith.constant 0 : i32
      %dma_wait3A_22 = tpu.memref_slice %arg5[%multiple_of3A, %dma_wait3A_21] : memref<2048x1024xf32, #tpu.memory_space<hbm>> -> memref<64x1024xf32, #tpu.memory_space<hbm>>
      tpu.wait_dma2 semaphore(%run_scoped3A : memref<!tpu.dma_semaphore, #tpu.memory_space<semaphore_mem>>) src(%arg8 : memref<64x1024xf32, #tpu.memory_space<vmem>>) dst(%dma_wait3A_22 : memref<64x1024xf32, #tpu.memory_space<hbm>>)
      tpu.yield
    }) : () -> ()
    return
  }
}

#map = affine_map<(d0, d1) -> (0)>
#map1 = affine_map<(d0, d1) -> (0, 0)>
module attributes {stable_mosaic.version = 14 : i64} {
  func.func @k2(%arg0: i32, %arg1: i32, %arg2: memref<4096xi32, #tpu.memory_space<hbm>>, %arg3: memref<2048x1024xf32, #tpu.memory_space<hbm>>, %arg4: memref<4096x1024xf32, #tpu.memory_space<hbm>>, %arg5: memref<64xi32, #tpu.memory_space<vmem>>, %arg6: memref<64xi32, #tpu.memory_space<vmem>>, %arg7: memref<64x1024xf32, #tpu.memory_space<vmem>>, %arg8: memref<!tpu.dma_semaphore, #tpu.memory_space<semaphore_mem>>) attributes {dimension_semantics = [#tpu.dimension_semantics<core_parallel>, #tpu.dimension_semantics<subcore_parallel>], iteration_bounds = array<i64: 2, 16>, scalar_prefetch = 0 : i64, scratch_operands = 4 : i64, tpu.core_type = #tpu.core_type<sc_vector_subcore>, window_params = [{transform_indices = #map}, {transform_indices = #map1}, {transform_indices = #map1}]} {
    %mul3A = arith.constant 2 : i32
    %mul3A_0 = arith.muli %arg1, %mul3A : i32
    %add3A = arith.addi %mul3A_0, %arg0 : i32
    %mul3A_1 = arith.constant 128 : i32
    %mul3A_2 = arith.muli %add3A, %mul3A_1 : i32
    %multiple_of3A = tpu.assume_multiple %mul3A_2, 128 : i32
    %and3A = arith.constant 2047 : i32
    %and3A_3 = arith.andi %multiple_of3A, %and3A : i32
    %multiple_of3A_4 = tpu.assume_multiple %and3A_3, 64 : i32
    "tpu.region"() ({
      %run_scoped3A = tpu.sem_alloc : memref<!tpu.dma_semaphore, #tpu.memory_space<semaphore_mem>>
      %dma_start3A_19 = tpu.memref_slice %arg2[%multiple_of3A] : memref<4096xi32, #tpu.memory_space<hbm>> -> memref<64xi32, #tpu.memory_space<hbm>>
      %dma_start3A_20 = tpu.memref_slice %arg2[%multiple_of3A] : memref<4096xi32, #tpu.memory_space<hbm>> -> memref<64xi32, #tpu.memory_space<hbm>>
      tpu.enqueue_dma source(%dma_start3A_20 : memref<64xi32, #tpu.memory_space<hbm>>) target(%arg5 : memref<64xi32, #tpu.memory_space<vmem>>) target_semaphore(%run_scoped3A : memref<!tpu.dma_semaphore, #tpu.memory_space<semaphore_mem>>)
      %dma_wait3A_21 = tpu.memref_slice %arg2[%multiple_of3A] : memref<4096xi32, #tpu.memory_space<hbm>> -> memref<64xi32, #tpu.memory_space<hbm>>
      %dma_wait3A_22 = tpu.memref_slice %arg2[%multiple_of3A] : memref<4096xi32, #tpu.memory_space<hbm>> -> memref<64xi32, #tpu.memory_space<hbm>>
      tpu.wait_dma2 semaphore(%run_scoped3A : memref<!tpu.dma_semaphore, #tpu.memory_space<semaphore_mem>>) src(%dma_wait3A_22 : memref<64xi32, #tpu.memory_space<hbm>>) dst(%arg5 : memref<64xi32, #tpu.memory_space<vmem>>)
      tpu.yield
    }) : () -> ()
    %add3A_5 = arith.constant 64 : i32
    %add3A_6 = arith.addi %multiple_of3A, %add3A_5 : i32
    "tpu.region"() ({
      %run_scoped3A = tpu.sem_alloc : memref<!tpu.dma_semaphore, #tpu.memory_space<semaphore_mem>>
      %dma_start3A_19 = tpu.memref_slice %arg2[%add3A_6] : memref<4096xi32, #tpu.memory_space<hbm>> -> memref<64xi32, #tpu.memory_space<hbm>>
      %dma_start3A_20 = tpu.memref_slice %arg2[%add3A_6] : memref<4096xi32, #tpu.memory_space<hbm>> -> memref<64xi32, #tpu.memory_space<hbm>>
      tpu.enqueue_dma source(%dma_start3A_20 : memref<64xi32, #tpu.memory_space<hbm>>) target(%arg6 : memref<64xi32, #tpu.memory_space<vmem>>) target_semaphore(%run_scoped3A : memref<!tpu.dma_semaphore, #tpu.memory_space<semaphore_mem>>)
      %dma_wait3A_21 = tpu.memref_slice %arg2[%add3A_6] : memref<4096xi32, #tpu.memory_space<hbm>> -> memref<64xi32, #tpu.memory_space<hbm>>
      %dma_wait3A_22 = tpu.memref_slice %arg2[%add3A_6] : memref<4096xi32, #tpu.memory_space<hbm>> -> memref<64xi32, #tpu.memory_space<hbm>>
      tpu.wait_dma2 semaphore(%run_scoped3A : memref<!tpu.dma_semaphore, #tpu.memory_space<semaphore_mem>>) src(%dma_wait3A_22 : memref<64xi32, #tpu.memory_space<hbm>>) dst(%arg6 : memref<64xi32, #tpu.memory_space<vmem>>)
      tpu.yield
    }) : () -> ()
    "tpu.region"() ({
      %run_scoped3A = tpu.sem_alloc : memref<!tpu.dma_semaphore, #tpu.memory_space<semaphore_mem>>
      %dma_start3A_19 = arith.constant 0 : i32
      %dma_start3A_20 = tpu.memref_slice %arg3[%multiple_of3A_4, %dma_start3A_19] : memref<2048x1024xf32, #tpu.memory_space<hbm>> -> memref<64x1024xf32, #tpu.memory_space<hbm>>
      %dma_start3A_21 = arith.constant 0 : i32
      %dma_start3A_22 = tpu.memref_slice %arg3[%multiple_of3A_4, %dma_start3A_21] : memref<2048x1024xf32, #tpu.memory_space<hbm>> -> memref<64x1024xf32, #tpu.memory_space<hbm>>
      tpu.enqueue_dma source(%dma_start3A_22 : memref<64x1024xf32, #tpu.memory_space<hbm>>) target(%arg7 : memref<64x1024xf32, #tpu.memory_space<vmem>>) target_semaphore(%run_scoped3A : memref<!tpu.dma_semaphore, #tpu.memory_space<semaphore_mem>>)
      %dma_wait3A_23 = arith.constant 0 : i32
      %dma_wait3A_24 = tpu.memref_slice %arg3[%multiple_of3A_4, %dma_wait3A_23] : memref<2048x1024xf32, #tpu.memory_space<hbm>> -> memref<64x1024xf32, #tpu.memory_space<hbm>>
      %dma_wait3A_25 = arith.constant 0 : i32
      %dma_wait3A_26 = tpu.memref_slice %arg3[%multiple_of3A_4, %dma_wait3A_25] : memref<2048x1024xf32, #tpu.memory_space<hbm>> -> memref<64x1024xf32, #tpu.memory_space<hbm>>
      tpu.wait_dma2 semaphore(%run_scoped3A : memref<!tpu.dma_semaphore, #tpu.memory_space<semaphore_mem>>) src(%dma_wait3A_26 : memref<64x1024xf32, #tpu.memory_space<hbm>>) dst(%arg7 : memref<64x1024xf32, #tpu.memory_space<vmem>>)
      tpu.yield
    }) : () -> ()
    %dma_start3A = arith.constant 0 : i32
    %dma_start3A_7 = arith.constant 0 : i32
    %dma_start3A_8 = tpu.memref_slice %arg4[%dma_start3A, %dma_start3A_7] : memref<4096x1024xf32, #tpu.memory_space<hbm>> -> memref<4096x1024xf32, #tpu.memory_space<hbm>>
    tpu.enqueue_indirect_dma source(%arg7 : memref<64x1024xf32, #tpu.memory_space<vmem>>) target(%dma_start3A_8 : memref<4096x1024xf32, #tpu.memory_space<hbm>>) offsets(%arg5 : memref<64xi32, #tpu.memory_space<vmem>>) semaphore(%arg8 : memref<!tpu.dma_semaphore, #tpu.memory_space<semaphore_mem>>)
    %dma_wait3A = arith.constant 0 : i32
    %dma_wait3A_9 = arith.constant 0 : i32
    %dma_wait3A_10 = tpu.memref_slice %arg4[%dma_wait3A, %dma_wait3A_9] : memref<4096x1024xf32, #tpu.memory_space<hbm>> -> memref<4096x1024xf32, #tpu.memory_space<hbm>>
    tpu.wait_indirect_dma semaphore(%arg8 : memref<!tpu.dma_semaphore, #tpu.memory_space<semaphore_mem>>) src(%arg7 : memref<64x1024xf32, #tpu.memory_space<vmem>>) dst(%dma_wait3A_10 : memref<4096x1024xf32, #tpu.memory_space<hbm>>)
    %add3A_11 = arith.constant 64 : i32
    %add3A_12 = arith.addi %multiple_of3A_4, %add3A_11 : i32
    "tpu.region"() ({
      %run_scoped3A = tpu.sem_alloc : memref<!tpu.dma_semaphore, #tpu.memory_space<semaphore_mem>>
      %dma_start3A_19 = arith.constant 0 : i32
      %dma_start3A_20 = tpu.memref_slice %arg3[%add3A_12, %dma_start3A_19] : memref<2048x1024xf32, #tpu.memory_space<hbm>> -> memref<64x1024xf32, #tpu.memory_space<hbm>>
      %dma_start3A_21 = arith.constant 0 : i32
      %dma_start3A_22 = tpu.memref_slice %arg3[%add3A_12, %dma_start3A_21] : memref<2048x1024xf32, #tpu.memory_space<hbm>> -> memref<64x1024xf32, #tpu.memory_space<hbm>>
      tpu.enqueue_dma source(%dma_start3A_22 : memref<64x1024xf32, #tpu.memory_space<hbm>>) target(%arg7 : memref<64x1024xf32, #tpu.memory_space<vmem>>) target_semaphore(%run_scoped3A : memref<!tpu.dma_semaphore, #tpu.memory_space<semaphore_mem>>)
      %dma_wait3A_23 = arith.constant 0 : i32
      %dma_wait3A_24 = tpu.memref_slice %arg3[%add3A_12, %dma_wait3A_23] : memref<2048x1024xf32, #tpu.memory_space<hbm>> -> memref<64x1024xf32, #tpu.memory_space<hbm>>
      %dma_wait3A_25 = arith.constant 0 : i32
      %dma_wait3A_26 = tpu.memref_slice %arg3[%add3A_12, %dma_wait3A_25] : memref<2048x1024xf32, #tpu.memory_space<hbm>> -> memref<64x1024xf32, #tpu.memory_space<hbm>>
      tpu.wait_dma2 semaphore(%run_scoped3A : memref<!tpu.dma_semaphore, #tpu.memory_space<semaphore_mem>>) src(%dma_wait3A_26 : memref<64x1024xf32, #tpu.memory_space<hbm>>) dst(%arg7 : memref<64x1024xf32, #tpu.memory_space<vmem>>)
      tpu.yield
    }) : () -> ()
    %dma_start3A_13 = arith.constant 0 : i32
    %dma_start3A_14 = arith.constant 0 : i32
    %dma_start3A_15 = tpu.memref_slice %arg4[%dma_start3A_13, %dma_start3A_14] : memref<4096x1024xf32, #tpu.memory_space<hbm>> -> memref<4096x1024xf32, #tpu.memory_space<hbm>>
    tpu.enqueue_indirect_dma source(%arg7 : memref<64x1024xf32, #tpu.memory_space<vmem>>) target(%dma_start3A_15 : memref<4096x1024xf32, #tpu.memory_space<hbm>>) offsets(%arg6 : memref<64xi32, #tpu.memory_space<vmem>>) semaphore(%arg8 : memref<!tpu.dma_semaphore, #tpu.memory_space<semaphore_mem>>)
    %dma_wait3A_16 = arith.constant 0 : i32
    %dma_wait3A_17 = arith.constant 0 : i32
    %dma_wait3A_18 = tpu.memref_slice %arg4[%dma_wait3A_16, %dma_wait3A_17] : memref<4096x1024xf32, #tpu.memory_space<hbm>> -> memref<4096x1024xf32, #tpu.memory_space<hbm>>
    tpu.wait_indirect_dma semaphore(%arg8 : memref<!tpu.dma_semaphore, #tpu.memory_space<semaphore_mem>>) src(%arg7 : memref<64x1024xf32, #tpu.memory_space<vmem>>) dst(%dma_wait3A_18 : memref<4096x1024xf32, #tpu.memory_space<hbm>>)
    return
  }
}

module attributes {stable_mosaic.version = 14 : i64} {
  func.func @_route_plan_body(%arg0: memref<2048x1024xf32, #tpu.memory_space<vmem>>, %arg1: memref<8x1024xf32, #tpu.memory_space<vmem>>, %arg2: memref<8x1xf32, #tpu.memory_space<vmem>>, %arg3: memref<8x2048xf32, #tpu.memory_space<vmem>>, %arg4: memref<8x128xi32, #tpu.memory_space<vmem>>, %arg5: memref<2048x8xf32, #tpu.memory_space<vmem>>) attributes {dimension_semantics = [], scalar_prefetch = 0 : i64, scratch_operands = 0 : i64, tpu.core_type = #tpu.core_type<tc>} {
    %get3A = arith.constant 0 : index
    %get3A_0 = arith.constant 0 : index
    %get3A_1 = vector.load %arg0[%get3A, %get3A_0] : memref<2048x1024xf32, #tpu.memory_space<vmem>>, vector<2048x1024xf32>
    %get3A_2 = arith.constant 0 : index
    %get3A_3 = arith.constant 0 : index
    %get3A_4 = vector.load %arg1[%get3A_2, %get3A_3] : memref<8x1024xf32, #tpu.memory_space<vmem>>, vector<8x1024xf32>
    %dot_general3A = arith.constant dense<0.000000e+00> : vector<2048x8xf32>
    %dot_general3A_5 = tpu.matmul %get3A_1, %get3A_4, %dot_general3A {dimension_numbers = #tpu.dot_dimension_numbers<[1], [1], [0], [0], [0, 0, 1, 0], [], []>, transpose_lhs_hint = false} : vector<2048x1024xf32>, vector<8x1024xf32>, vector<2048x8xf32> -> vector<2048x8xf32>
    %iota3A = tpu.iota {dimensions = array<i32: 0>} : vector<2048x512xi32>
    %iota3A_6 = tpu.iota {dimensions = array<i32: 1>} : vector<2048x512xi32>
    %add3A = arith.constant 0 : i32
    %add3A_7 = vector.broadcast %add3A : i32 to vector<2048x512xi32>
    %add3A_8 = arith.addi %iota3A_6, %add3A_7 : vector<2048x512xi32>
    %eq3A = arith.cmpi eq, %iota3A, %add3A_8 : vector<2048x512xi32>
    %convert_element_type3A = arith.extui %eq3A : vector<2048x512xi1> to vector<2048x512xi32>
    %convert_element_type3A_9 = arith.sitofp %convert_element_type3A : vector<2048x512xi32> to vector<2048x512xf32>
    %dot_general3A_10 = arith.constant dense<0.000000e+00> : vector<8x512xf32>
    %dot_general3A_11 = tpu.matmul %dot_general3A_5, %convert_element_type3A_9, %dot_general3A_10 {dimension_numbers = #tpu.dot_dimension_numbers<[0], [0], [1], [1], [0, 1, 1, 1], [], []>, precision = #tpu.contract_precision<fp32>, transpose_lhs_hint = false} : vector<2048x8xf32>, vector<2048x512xf32>, vector<8x512xf32> -> vector<8x512xf32>
    %iota3A_12 = tpu.iota {dimensions = array<i32: 0>} : vector<2048x512xi32>
    %iota3A_13 = tpu.iota {dimensions = array<i32: 1>} : vector<2048x512xi32>
    %add3A_14 = arith.constant 512 : i32
    %add3A_15 = vector.broadcast %add3A_14 : i32 to vector<2048x512xi32>
    %add3A_16 = arith.addi %iota3A_13, %add3A_15 : vector<2048x512xi32>
    %eq3A_17 = arith.cmpi eq, %iota3A_12, %add3A_16 : vector<2048x512xi32>
    %convert_element_type3A_18 = arith.extui %eq3A_17 : vector<2048x512xi1> to vector<2048x512xi32>
    %convert_element_type3A_19 = arith.sitofp %convert_element_type3A_18 : vector<2048x512xi32> to vector<2048x512xf32>
    %dot_general3A_20 = arith.constant dense<0.000000e+00> : vector<8x512xf32>
    %dot_general3A_21 = tpu.matmul %dot_general3A_5, %convert_element_type3A_19, %dot_general3A_20 {dimension_numbers = #tpu.dot_dimension_numbers<[0], [0], [1], [1], [0, 1, 1, 1], [], []>, precision = #tpu.contract_precision<fp32>, transpose_lhs_hint = false} : vector<2048x8xf32>, vector<2048x512xf32>, vector<8x512xf32> -> vector<8x512xf32>
    %iota3A_22 = tpu.iota {dimensions = array<i32: 0>} : vector<2048x512xi32>
    %iota3A_23 = tpu.iota {dimensions = array<i32: 1>} : vector<2048x512xi32>
    %add3A_24 = arith.constant 1024 : i32
    %add3A_25 = vector.broadcast %add3A_24 : i32 to vector<2048x512xi32>
    %add3A_26 = arith.addi %iota3A_23, %add3A_25 : vector<2048x512xi32>
    %eq3A_27 = arith.cmpi eq, %iota3A_22, %add3A_26 : vector<2048x512xi32>
    %convert_element_type3A_28 = arith.extui %eq3A_27 : vector<2048x512xi1> to vector<2048x512xi32>
    %convert_element_type3A_29 = arith.sitofp %convert_element_type3A_28 : vector<2048x512xi32> to vector<2048x512xf32>
    %dot_general3A_30 = arith.constant dense<0.000000e+00> : vector<8x512xf32>
    %dot_general3A_31 = tpu.matmul %dot_general3A_5, %convert_element_type3A_29, %dot_general3A_30 {dimension_numbers = #tpu.dot_dimension_numbers<[0], [0], [1], [1], [0, 1, 1, 1], [], []>, precision = #tpu.contract_precision<fp32>, transpose_lhs_hint = false} : vector<2048x8xf32>, vector<2048x512xf32>, vector<8x512xf32> -> vector<8x512xf32>
    %iota3A_32 = tpu.iota {dimensions = array<i32: 0>} : vector<2048x512xi32>
    %iota3A_33 = tpu.iota {dimensions = array<i32: 1>} : vector<2048x512xi32>
    %add3A_34 = arith.constant 1536 : i32
    %add3A_35 = vector.broadcast %add3A_34 : i32 to vector<2048x512xi32>
    %add3A_36 = arith.addi %iota3A_33, %add3A_35 : vector<2048x512xi32>
    %eq3A_37 = arith.cmpi eq, %iota3A_32, %add3A_36 : vector<2048x512xi32>
    %convert_element_type3A_38 = arith.extui %eq3A_37 : vector<2048x512xi1> to vector<2048x512xi32>
    %convert_element_type3A_39 = arith.sitofp %convert_element_type3A_38 : vector<2048x512xi32> to vector<2048x512xf32>
    %dot_general3A_40 = arith.constant dense<0.000000e+00> : vector<8x512xf32>
    %dot_general3A_41 = tpu.matmul %dot_general3A_5, %convert_element_type3A_39, %dot_general3A_40 {dimension_numbers = #tpu.dot_dimension_numbers<[0], [0], [1], [1], [0, 1, 1, 1], [], []>, precision = #tpu.contract_precision<fp32>, transpose_lhs_hint = false} : vector<2048x8xf32>, vector<2048x512xf32>, vector<8x512xf32> -> vector<8x512xf32>
    %concatenate3A = tpu.concatenate %dot_general3A_11, %dot_general3A_21, %dot_general3A_31, %dot_general3A_41 in 1 : vector<8x512xf32>, vector<8x512xf32>, vector<8x512xf32>, vector<8x512xf32> -> vector<8x2048xf32>
    %logistic3A = arith.negf %concatenate3A : vector<8x2048xf32>
    %logistic3A_42 = math.exp %logistic3A : vector<8x2048xf32>
    %logistic3A_43 = arith.constant 1.000000e+00 : f32
    %logistic3A_44 = vector.broadcast %logistic3A_43 : f32 to vector<8x2048xf32>
    %logistic3A_45 = arith.addf %logistic3A_44, %logistic3A_42 : vector<8x2048xf32>
    %logistic3A_46 = arith.divf %logistic3A_44, %logistic3A_45 : vector<8x2048xf32>
    %get3A_47 = arith.constant 0 : index
    %get3A_48 = arith.constant 0 : index
    %get3A_49 = vector.load %arg2[%get3A_47, %get3A_48] : memref<8x1xf32, #tpu.memory_space<vmem>>, vector<8x1xf32>
    %add3A_50 = vector.broadcast %get3A_49 : vector<8x1xf32> to vector<8x2048xf32>
    %add3A_51 = arith.addf %logistic3A_46, %add3A_50 : vector<8x2048xf32>
    %iota3A_52 = tpu.iota {dimensions = array<i32: 0>} : vector<8x2048xi32>
    %reduce_max3A = arith.constant dense<0xFF800000> : vector<2048xf32>
    %reduce_max3A_53 = vector.multi_reduction <maximumf>, %add3A_51, %reduce_max3A [0] : vector<8x2048xf32> to vector<2048xf32>
    %broadcast_in_dim3A = vector.shape_cast %reduce_max3A_53 : vector<2048xf32> to vector<1x2048xf32>
    %eq3A_54 = vector.broadcast %broadcast_in_dim3A : vector<1x2048xf32> to vector<8x2048xf32>
    %eq3A_55 = arith.cmpf oeq, %add3A_51, %eq3A_54 : vector<8x2048xf32>
    %jit3A = arith.constant 8 : i32
    %broadcast_in_dim3A_56 = vector.broadcast %jit3A : i32 to vector<8x2048xi32>
    %select_n3A = arith.select %eq3A_55, %iota3A_52, %broadcast_in_dim3A_56 : vector<8x2048xi1>, vector<8x2048xi32>
    %reduce_min3A = arith.constant dense<2147483647> : vector<2048xi32>
    %reduce_min3A_57 = vector.multi_reduction <minsi>, %select_n3A, %reduce_min3A [0] : vector<8x2048xi32> to vector<2048xi32>
    %broadcast_in_dim3A_58 = vector.shape_cast %reduce_min3A_57 : vector<2048xi32> to vector<1x2048xi32>
    %eq3A_59 = vector.broadcast %broadcast_in_dim3A_58 : vector<1x2048xi32> to vector<8x2048xi32>
    %eq3A_60 = arith.cmpi eq, %iota3A_52, %eq3A_59 : vector<8x2048xi32>
    %jit3A_61 = arith.constant -1.000000e+30 : f32
    %broadcast_in_dim3A_62 = vector.broadcast %jit3A_61 : f32 to vector<8x2048xf32>
    %select_n3A_63 = arith.select %eq3A_60, %broadcast_in_dim3A_62, %add3A_51 : vector<8x2048xi1>, vector<8x2048xf32>
    %reduce_max3A_64 = arith.constant dense<0xFF800000> : vector<2048xf32>
    %reduce_max3A_65 = vector.multi_reduction <maximumf>, %select_n3A_63, %reduce_max3A_64 [0] : vector<8x2048xf32> to vector<2048xf32>
    %broadcast_in_dim3A_66 = vector.shape_cast %reduce_max3A_65 : vector<2048xf32> to vector<1x2048xf32>
    %eq3A_67 = vector.broadcast %broadcast_in_dim3A_66 : vector<1x2048xf32> to vector<8x2048xf32>
    %eq3A_68 = arith.cmpf oeq, %select_n3A_63, %eq3A_67 : vector<8x2048xf32>
    %jit3A_69 = arith.constant 8 : i32
    %broadcast_in_dim3A_70 = vector.broadcast %jit3A_69 : i32 to vector<8x2048xi32>
    %select_n3A_71 = arith.select %eq3A_68, %iota3A_52, %broadcast_in_dim3A_70 : vector<8x2048xi1>, vector<8x2048xi32>
    %reduce_min3A_72 = arith.constant dense<2147483647> : vector<2048xi32>
    %reduce_min3A_73 = vector.multi_reduction <minsi>, %select_n3A_71, %reduce_min3A_72 [0] : vector<8x2048xi32> to vector<2048xi32>
    %broadcast_in_dim3A_74 = vector.shape_cast %reduce_min3A_73 : vector<2048xi32> to vector<1x2048xi32>
    %eq3A_75 = vector.broadcast %broadcast_in_dim3A_74 : vector<1x2048xi32> to vector<8x2048xi32>
    %eq3A_76 = arith.cmpi eq, %iota3A_52, %eq3A_75 : vector<8x2048xi32>
    %jit3A_77 = arith.constant 0.000000e+00 : f32
    %broadcast_in_dim3A_78 = vector.broadcast %jit3A_77 : f32 to vector<8x2048xf32>
    %select_n3A_79 = arith.select %eq3A_60, %logistic3A_46, %broadcast_in_dim3A_78 : vector<8x2048xi1>, vector<8x2048xf32>
    %reduce_sum3A = arith.constant dense<0.000000e+00> : vector<2048xf32>
    %reduce_sum3A_80 = vector.multi_reduction <add>, %select_n3A_79, %reduce_sum3A [0] : vector<8x2048xf32> to vector<2048xf32>
    %broadcast_in_dim3A_81 = vector.shape_cast %reduce_sum3A_80 : vector<2048xf32> to vector<1x2048xf32>
    %jit3A_82 = arith.constant 0.000000e+00 : f32
    %broadcast_in_dim3A_83 = vector.broadcast %jit3A_82 : f32 to vector<8x2048xf32>
    %select_n3A_84 = arith.select %eq3A_76, %logistic3A_46, %broadcast_in_dim3A_83 : vector<8x2048xi1>, vector<8x2048xf32>
    %reduce_sum3A_85 = arith.constant dense<0.000000e+00> : vector<2048xf32>
    %reduce_sum3A_86 = vector.multi_reduction <add>, %select_n3A_84, %reduce_sum3A_85 [0] : vector<8x2048xf32> to vector<2048xf32>
    %broadcast_in_dim3A_87 = vector.shape_cast %reduce_sum3A_86 : vector<2048xf32> to vector<1x2048xf32>
    %add3A_88 = arith.addf %broadcast_in_dim3A_81, %broadcast_in_dim3A_87 : vector<1x2048xf32>
    %add3A_89 = arith.constant 9.99999997E-7 : f32
    %add3A_90 = vector.broadcast %add3A_89 : f32 to vector<1x2048xf32>
    %add3A_91 = arith.addf %add3A_88, %add3A_90 : vector<1x2048xf32>
    %div3A = arith.divf %broadcast_in_dim3A_81, %add3A_91 : vector<1x2048xf32>
    %div3A_92 = arith.divf %broadcast_in_dim3A_87, %add3A_91 : vector<1x2048xf32>
    %convert_element_type3A_93 = arith.extui %eq3A_60 : vector<8x2048xi1> to vector<8x2048xi32>
    %convert_element_type3A_94 = arith.sitofp %convert_element_type3A_93 : vector<8x2048xi32> to vector<8x2048xf32>
    %convert_element_type3A_95 = arith.extui %eq3A_76 : vector<8x2048xi1> to vector<8x2048xi32>
    %convert_element_type3A_96 = arith.sitofp %convert_element_type3A_95 : vector<8x2048xi32> to vector<8x2048xf32>
    %iota3A_97 = tpu.iota {dimensions = array<i32: 0>} : vector<2048x512xi32>
    %iota3A_98 = tpu.iota {dimensions = array<i32: 1>} : vector<2048x512xi32>
    %add3A_99 = arith.constant 0 : i32
    %add3A_100 = vector.broadcast %add3A_99 : i32 to vector<2048x512xi32>
    %add3A_101 = arith.addi %iota3A_98, %add3A_100 : vector<2048x512xi32>
    %lt3A = arith.cmpi slt, %iota3A_97, %add3A_101 : vector<2048x512xi32>
    %convert_element_type3A_102 = arith.extui %lt3A : vector<2048x512xi1> to vector<2048x512xi32>
    %convert_element_type3A_103 = arith.sitofp %convert_element_type3A_102 : vector<2048x512xi32> to vector<2048x512xf32>
    %dot_general3A_104 = arith.constant dense<0.000000e+00> : vector<8x512xf32>
    %dot_general3A_105 = tpu.matmul %convert_element_type3A_94, %convert_element_type3A_103, %dot_general3A_104 {dimension_numbers = #tpu.dot_dimension_numbers<[1], [0], [0], [1], [0, 0, 1, 1], [], []>, transpose_lhs_hint = false} : vector<8x2048xf32>, vector<2048x512xf32>, vector<8x512xf32> -> vector<8x512xf32>
    %dot_general3A_106 = arith.constant dense<0.000000e+00> : vector<8x512xf32>
    %dot_general3A_107 = tpu.matmul %convert_element_type3A_96, %convert_element_type3A_103, %dot_general3A_106 {dimension_numbers = #tpu.dot_dimension_numbers<[1], [0], [0], [1], [0, 0, 1, 1], [], []>, transpose_lhs_hint = false} : vector<8x2048xf32>, vector<2048x512xf32>, vector<8x512xf32> -> vector<8x512xf32>
    %iota3A_108 = tpu.iota {dimensions = array<i32: 0>} : vector<2048x512xi32>
    %iota3A_109 = tpu.iota {dimensions = array<i32: 1>} : vector<2048x512xi32>
    %add3A_110 = arith.constant 512 : i32
    %add3A_111 = vector.broadcast %add3A_110 : i32 to vector<2048x512xi32>
    %add3A_112 = arith.addi %iota3A_109, %add3A_111 : vector<2048x512xi32>
    %lt3A_113 = arith.cmpi slt, %iota3A_108, %add3A_112 : vector<2048x512xi32>
    %convert_element_type3A_114 = arith.extui %lt3A_113 : vector<2048x512xi1> to vector<2048x512xi32>
    %convert_element_type3A_115 = arith.sitofp %convert_element_type3A_114 : vector<2048x512xi32> to vector<2048x512xf32>
    %dot_general3A_116 = arith.constant dense<0.000000e+00> : vector<8x512xf32>
    %dot_general3A_117 = tpu.matmul %convert_element_type3A_94, %convert_element_type3A_115, %dot_general3A_116 {dimension_numbers = #tpu.dot_dimension_numbers<[1], [0], [0], [1], [0, 0, 1, 1], [], []>, transpose_lhs_hint = false} : vector<8x2048xf32>, vector<2048x512xf32>, vector<8x512xf32> -> vector<8x512xf32>
    %dot_general3A_118 = arith.constant dense<0.000000e+00> : vector<8x512xf32>
    %dot_general3A_119 = tpu.matmul %convert_element_type3A_96, %convert_element_type3A_115, %dot_general3A_118 {dimension_numbers = #tpu.dot_dimension_numbers<[1], [0], [0], [1], [0, 0, 1, 1], [], []>, transpose_lhs_hint = false} : vector<8x2048xf32>, vector<2048x512xf32>, vector<8x512xf32> -> vector<8x512xf32>
    %iota3A_120 = tpu.iota {dimensions = array<i32: 0>} : vector<2048x512xi32>
    %iota3A_121 = tpu.iota {dimensions = array<i32: 1>} : vector<2048x512xi32>
    %add3A_122 = arith.constant 1024 : i32
    %add3A_123 = vector.broadcast %add3A_122 : i32 to vector<2048x512xi32>
    %add3A_124 = arith.addi %iota3A_121, %add3A_123 : vector<2048x512xi32>
    %lt3A_125 = arith.cmpi slt, %iota3A_120, %add3A_124 : vector<2048x512xi32>
    %convert_element_type3A_126 = arith.extui %lt3A_125 : vector<2048x512xi1> to vector<2048x512xi32>
    %convert_element_type3A_127 = arith.sitofp %convert_element_type3A_126 : vector<2048x512xi32> to vector<2048x512xf32>
    %dot_general3A_128 = arith.constant dense<0.000000e+00> : vector<8x512xf32>
    %dot_general3A_129 = tpu.matmul %convert_element_type3A_94, %convert_element_type3A_127, %dot_general3A_128 {dimension_numbers = #tpu.dot_dimension_numbers<[1], [0], [0], [1], [0, 0, 1, 1], [], []>, transpose_lhs_hint = false} : vector<8x2048xf32>, vector<2048x512xf32>, vector<8x512xf32> -> vector<8x512xf32>
    %dot_general3A_130 = arith.constant dense<0.000000e+00> : vector<8x512xf32>
    %dot_general3A_131 = tpu.matmul %convert_element_type3A_96, %convert_element_type3A_127, %dot_general3A_130 {dimension_numbers = #tpu.dot_dimension_numbers<[1], [0], [0], [1], [0, 0, 1, 1], [], []>, transpose_lhs_hint = false} : vector<8x2048xf32>, vector<2048x512xf32>, vector<8x512xf32> -> vector<8x512xf32>
    %iota3A_132 = tpu.iota {dimensions = array<i32: 0>} : vector<2048x512xi32>
    %iota3A_133 = tpu.iota {dimensions = array<i32: 1>} : vector<2048x512xi32>
    %add3A_134 = arith.constant 1536 : i32
    %add3A_135 = vector.broadcast %add3A_134 : i32 to vector<2048x512xi32>
    %add3A_136 = arith.addi %iota3A_133, %add3A_135 : vector<2048x512xi32>
    %lt3A_137 = arith.cmpi slt, %iota3A_132, %add3A_136 : vector<2048x512xi32>
    %convert_element_type3A_138 = arith.extui %lt3A_137 : vector<2048x512xi1> to vector<2048x512xi32>
    %convert_element_type3A_139 = arith.sitofp %convert_element_type3A_138 : vector<2048x512xi32> to vector<2048x512xf32>
    %dot_general3A_140 = arith.constant dense<0.000000e+00> : vector<8x512xf32>
    %dot_general3A_141 = tpu.matmul %convert_element_type3A_94, %convert_element_type3A_139, %dot_general3A_140 {dimension_numbers = #tpu.dot_dimension_numbers<[1], [0], [0], [1], [0, 0, 1, 1], [], []>, transpose_lhs_hint = false} : vector<8x2048xf32>, vector<2048x512xf32>, vector<8x512xf32> -> vector<8x512xf32>
    %dot_general3A_142 = arith.constant dense<0.000000e+00> : vector<8x512xf32>
    %dot_general3A_143 = tpu.matmul %convert_element_type3A_96, %convert_element_type3A_139, %dot_general3A_142 {dimension_numbers = #tpu.dot_dimension_numbers<[1], [0], [0], [1], [0, 0, 1, 1], [], []>, transpose_lhs_hint = false} : vector<8x2048xf32>, vector<2048x512xf32>, vector<8x512xf32> -> vector<8x512xf32>
    %concatenate3A_144 = tpu.concatenate %dot_general3A_105, %dot_general3A_117, %dot_general3A_129, %dot_general3A_141 in 1 : vector<8x512xf32>, vector<8x512xf32>, vector<8x512xf32>, vector<8x512xf32> -> vector<8x2048xf32>
    %concatenate3A_145 = tpu.concatenate %dot_general3A_107, %dot_general3A_119, %dot_general3A_131, %dot_general3A_143 in 1 : vector<8x512xf32>, vector<8x512xf32>, vector<8x512xf32>, vector<8x512xf32> -> vector<8x2048xf32>
    %reduce_sum3A_146 = arith.constant dense<0.000000e+00> : vector<8xf32>
    %reduce_sum3A_147 = vector.multi_reduction <add>, %convert_element_type3A_94, %reduce_sum3A_146 [1] : vector<8x2048xf32> to vector<8xf32>
    %broadcast_in_dim3A_148 = vector.shape_cast %reduce_sum3A_147 : vector<8xf32> to vector<8x1xf32>
    %reduce_sum3A_149 = arith.constant dense<0.000000e+00> : vector<8xf32>
    %reduce_sum3A_150 = vector.multi_reduction <add>, %convert_element_type3A_96, %reduce_sum3A_149 [1] : vector<8x2048xf32> to vector<8xf32>
    %broadcast_in_dim3A_151 = vector.shape_cast %reduce_sum3A_150 : vector<8xf32> to vector<8x1xf32>
    %add3A_152 = arith.addf %broadcast_in_dim3A_148, %broadcast_in_dim3A_151 : vector<8x1xf32>
    %iota3A_153 = tpu.iota {dimensions = array<i32: 0>} : vector<8x8xi32>
    %iota3A_154 = tpu.iota {dimensions = array<i32: 1>} : vector<8x8xi32>
    %lt3A_155 = arith.cmpi slt, %iota3A_154, %iota3A_153 : vector<8x8xi32>
    %convert_element_type3A_156 = arith.extui %lt3A_155 : vector<8x8xi1> to vector<8x8xi32>
    %convert_element_type3A_157 = arith.sitofp %convert_element_type3A_156 : vector<8x8xi32> to vector<8x8xf32>
    %le3A = arith.cmpi sle, %iota3A_154, %iota3A_153 : vector<8x8xi32>
    %convert_element_type3A_158 = arith.extui %le3A : vector<8x8xi1> to vector<8x8xi32>
    %convert_element_type3A_159 = arith.sitofp %convert_element_type3A_158 : vector<8x8xi32> to vector<8x8xf32>
    %dot_general3A_160 = arith.constant dense<0.000000e+00> : vector<8x1xf32>
    %dot_general3A_161 = tpu.matmul %convert_element_type3A_157, %add3A_152, %dot_general3A_160 {dimension_numbers = #tpu.dot_dimension_numbers<[1], [0], [0], [1], [0, 0, 1, 1], [], []>, precision = #tpu.contract_precision<fp32>, transpose_lhs_hint = false} : vector<8x8xf32>, vector<8x1xf32>, vector<8x1xf32> -> vector<8x1xf32>
    %add3A_162 = vector.broadcast %dot_general3A_161 : vector<8x1xf32> to vector<8x2048xf32>
    %add3A_163 = arith.addf %add3A_162, %concatenate3A_144 : vector<8x2048xf32>
    %mul3A = arith.mulf %convert_element_type3A_94, %add3A_163 : vector<8x2048xf32>
    %reduce_sum3A_164 = arith.constant dense<0.000000e+00> : vector<2048xf32>
    %reduce_sum3A_165 = vector.multi_reduction <add>, %mul3A, %reduce_sum3A_164 [0] : vector<8x2048xf32> to vector<2048xf32>
    %broadcast_in_dim3A_166 = vector.shape_cast %reduce_sum3A_165 : vector<2048xf32> to vector<1x2048xf32>
    %add3A_167 = arith.addf %dot_general3A_161, %broadcast_in_dim3A_148 : vector<8x1xf32>
    %add3A_168 = vector.broadcast %add3A_167 : vector<8x1xf32> to vector<8x2048xf32>
    %add3A_169 = arith.addf %add3A_168, %concatenate3A_145 : vector<8x2048xf32>
    %mul3A_170 = arith.mulf %convert_element_type3A_96, %add3A_169 : vector<8x2048xf32>
    %reduce_sum3A_171 = arith.constant dense<0.000000e+00> : vector<2048xf32>
    %reduce_sum3A_172 = vector.multi_reduction <add>, %mul3A_170, %reduce_sum3A_171 [0] : vector<8x2048xf32> to vector<2048xf32>
    %broadcast_in_dim3A_173 = vector.shape_cast %reduce_sum3A_172 : vector<2048xf32> to vector<1x2048xf32>
    %broadcast_in_dim3A_174 = arith.constant 0.000000e+00 : f32
    %broadcast_in_dim3A_175 = vector.broadcast %broadcast_in_dim3A_174 : f32 to vector<4x2048xf32>
    %concatenate3A_176 = tpu.concatenate %div3A, %div3A_92, %broadcast_in_dim3A_166, %broadcast_in_dim3A_173, %broadcast_in_dim3A_175 in 0 : vector<1x2048xf32>, vector<1x2048xf32>, vector<1x2048xf32>, vector<1x2048xf32>, vector<4x2048xf32> -> vector<8x2048xf32>
    %swap3A = arith.constant 0 : index
    %swap3A_177 = arith.constant 0 : index
    %swap3A_178 = vector.load %arg3[%swap3A, %swap3A_177] : memref<8x2048xf32, #tpu.memory_space<vmem>>, vector<8x2048xf32>
    tpu.vector_store %arg3[%swap3A, %swap3A_177], %concatenate3A_176 {strides = array<i32>} : memref<8x2048xf32, #tpu.memory_space<vmem>>, vector<8x2048xf32>,
    %add3A_179 = arith.addf %dot_general3A_161, %add3A_152 : vector<8x1xf32>
    %div3A_180 = arith.constant 5.120000e+02 : f32
    %div3A_181 = vector.broadcast %div3A_180 : f32 to vector<8x1xf32>
    %div3A_182 = arith.divf %dot_general3A_161, %div3A_181 : vector<8x1xf32>
    %floor3A = math.floor %div3A_182 : vector<8x1xf32>
    %min3A = arith.constant 7.000000e+00 : f32
    %min3A_183 = vector.broadcast %min3A : f32 to vector<8x1xf32>
    %min3A_184 = arith.minimumf %floor3A, %min3A_183 : vector<8x1xf32>
    %div3A_185 = arith.constant 5.120000e+02 : f32
    %div3A_186 = vector.broadcast %div3A_185 : f32 to vector<8x1xf32>
    %div3A_187 = arith.divf %add3A_179, %div3A_186 : vector<8x1xf32>
    %ceil3A = math.ceil %div3A_187 : vector<8x1xf32>
    %sub3A = arith.constant 1.000000e+00 : f32
    %sub3A_188 = vector.broadcast %sub3A : f32 to vector<8x1xf32>
    %sub3A_189 = arith.subf %ceil3A, %sub3A_188 : vector<8x1xf32>
    %max3A = arith.maximumf %min3A_184, %sub3A_189 : vector<8x1xf32>
    %gt3A = arith.constant 0.000000e+00 : f32
    %gt3A_190 = vector.broadcast %gt3A : f32 to vector<8x1xf32>
    %gt3A_191 = arith.cmpf ogt, %add3A_152, %gt3A_190 : vector<8x1xf32>
    %sub3A_192 = arith.subf %max3A, %min3A_184 : vector<8x1xf32>
    %add3A_193 = arith.constant 1.000000e+00 : f32
    %add3A_194 = vector.broadcast %add3A_193 : f32 to vector<8x1xf32>
    %add3A_195 = arith.addf %sub3A_192, %add3A_194 : vector<8x1xf32>
    %jit3A_196 = arith.constant 1.000000e+00 : f32
    %broadcast_in_dim3A_197 = vector.broadcast %jit3A_196 : f32 to vector<8x1xf32>
    %select_n3A_198 = arith.select %gt3A_191, %add3A_195, %broadcast_in_dim3A_197 : vector<8x1xi1>, vector<8x1xf32>
    %dot_general3A_199 = arith.constant dense<0.000000e+00> : vector<8x1xf32>
    %dot_general3A_200 = tpu.matmul %convert_element_type3A_159, %select_n3A_198, %dot_general3A_199 {dimension_numbers = #tpu.dot_dimension_numbers<[1], [0], [0], [1], [0, 0, 1, 1], [], []>, precision = #tpu.contract_precision<fp32>, transpose_lhs_hint = false} : vector<8x8xf32>, vector<8x1xf32>, vector<8x1xf32> -> vector<8x1xf32>
    %sub3A_201 = arith.subf %dot_general3A_200, %select_n3A_198 : vector<8x1xf32>
    %iota3A_202 = tpu.iota {dimensions = array<i32: 1>} : vector<1x128xi32>
    %convert_element_type3A_203 = arith.sitofp %iota3A_202 : vector<1x128xi32> to vector<1x128xf32>
    %le3A_204 = vector.broadcast %dot_general3A_200 : vector<8x1xf32> to vector<8x128xf32>
    %le3A_205 = vector.broadcast %convert_element_type3A_203 : vector<1x128xf32> to vector<8x128xf32>
    %le3A_206 = arith.cmpf ole, %le3A_204, %le3A_205 : vector<8x128xf32>
    %convert_element_type3A_207 = arith.extui %le3A_206 : vector<8x128xi1> to vector<8x128xi32>
    %convert_element_type3A_208 = arith.sitofp %convert_element_type3A_207 : vector<8x128xi32> to vector<8x128xf32>
    %reduce_sum3A_209 = arith.constant dense<0.000000e+00> : vector<128xf32>
    %reduce_sum3A_210 = vector.multi_reduction <add>, %convert_element_type3A_208, %reduce_sum3A_209 [0] : vector<8x128xf32> to vector<128xf32>
    %broadcast_in_dim3A_211 = vector.shape_cast %reduce_sum3A_210 : vector<128xf32> to vector<1x128xf32>
    %min3A_212 = arith.constant 7.000000e+00 : f32
    %min3A_213 = vector.broadcast %min3A_212 : f32 to vector<1x128xf32>
    %min3A_214 = arith.minimumf %broadcast_in_dim3A_211, %min3A_213 : vector<1x128xf32>
    %iota3A_215 = tpu.iota {dimensions = array<i32: 0>} : vector<8x128xi32>
    %convert_element_type3A_216 = arith.fptosi %min3A_214 : vector<1x128xf32> to vector<1x128xi32>
    %eq3A_217 = vector.broadcast %convert_element_type3A_216 : vector<1x128xi32> to vector<8x128xi32>
    %eq3A_218 = arith.cmpi eq, %iota3A_215, %eq3A_217 : vector<8x128xi32>
    %convert_element_type3A_219 = arith.extui %eq3A_218 : vector<8x128xi1> to vector<8x128xi32>
    %convert_element_type3A_220 = arith.sitofp %convert_element_type3A_219 : vector<8x128xi32> to vector<8x128xf32>
    %mul3A_221 = vector.broadcast %min3A_184 : vector<8x1xf32> to vector<8x128xf32>
    %mul3A_222 = arith.mulf %convert_element_type3A_220, %mul3A_221 : vector<8x128xf32>
    %reduce_sum3A_223 = arith.constant dense<0.000000e+00> : vector<128xf32>
    %reduce_sum3A_224 = vector.multi_reduction <add>, %mul3A_222, %reduce_sum3A_223 [0] : vector<8x128xf32> to vector<128xf32>
    %broadcast_in_dim3A_225 = vector.shape_cast %reduce_sum3A_224 : vector<128xf32> to vector<1x128xf32>
    %mul3A_226 = vector.broadcast %sub3A_201 : vector<8x1xf32> to vector<8x128xf32>
    %mul3A_227 = arith.mulf %convert_element_type3A_220, %mul3A_226 : vector<8x128xf32>
    %reduce_sum3A_228 = arith.constant dense<0.000000e+00> : vector<128xf32>
    %reduce_sum3A_229 = vector.multi_reduction <add>, %mul3A_227, %reduce_sum3A_228 [0] : vector<8x128xf32> to vector<128xf32>
    %broadcast_in_dim3A_230 = vector.shape_cast %reduce_sum3A_229 : vector<128xf32> to vector<1x128xf32>
    %reduce_sum3A_231 = vector.shape_cast %select_n3A_198 : vector<8x1xf32> to vector<1x8x1xf32>
    %reduce_sum3A_232 = arith.constant dense<0.000000e+00> : vector<1xf32>
    %reduce_sum3A_233 = vector.multi_reduction <add>, %reduce_sum3A_231, %reduce_sum3A_232 [1, 2] : vector<1x8x1xf32> to vector<1xf32>
    %reduce_sum3A_234 = vector.shape_cast %reduce_sum3A_233 : vector<1xf32> to vector<1x1x1xf32>
    %reduce_sum3A_235 = vector.extract %reduce_sum3A_234[0, 0, 0] : f32 from vector<1x1x1xf32>
    %lt3A_236 = vector.broadcast %reduce_sum3A_235 : f32 to vector<1x128xf32>
    %lt3A_237 = arith.cmpf olt, %convert_element_type3A_203, %lt3A_236 : vector<1x128xf32>
    %convert_element_type3A_238 = arith.extui %lt3A_237 : vector<1x128xi1> to vector<1x128xi32>
    %convert_element_type3A_239 = arith.sitofp %convert_element_type3A_238 : vector<1x128xi32> to vector<1x128xf32>
    %gt3A_240 = arith.constant 0.000000e+00 : f32
    %gt3A_241 = vector.broadcast %gt3A_240 : f32 to vector<1x128xf32>
    %gt3A_242 = arith.cmpf ogt, %convert_element_type3A_239, %gt3A_241 : vector<1x128xf32>
    %sub3A_243 = arith.subf %convert_element_type3A_203, %broadcast_in_dim3A_230 : vector<1x128xf32>
    %add3A_244 = arith.addf %broadcast_in_dim3A_225, %sub3A_243 : vector<1x128xf32>
    %jit3A_245 = arith.constant 7.000000e+00 : f32
    %broadcast_in_dim3A_246 = vector.broadcast %jit3A_245 : f32 to vector<1x128xf32>
    %select_n3A_247 = arith.select %gt3A_242, %add3A_244, %broadcast_in_dim3A_246 : vector<1x128xi1>, vector<1x128xf32>
    %gt3A_248 = arith.constant 0.000000e+00 : f32
    %gt3A_249 = vector.broadcast %gt3A_248 : f32 to vector<1x128xf32>
    %gt3A_250 = arith.cmpf ogt, %convert_element_type3A_239, %gt3A_249 : vector<1x128xf32>
    %jit3A_251 = arith.constant 7.000000e+00 : f32
    %broadcast_in_dim3A_252 = vector.broadcast %jit3A_251 : f32 to vector<1x128xf32>
    %select_n3A_253 = arith.select %gt3A_250, %min3A_214, %broadcast_in_dim3A_252 : vector<1x128xi1>, vector<1x128xf32>
    %convert_element_type3A_254 = arith.fptosi %convert_element_type3A_203 : vector<1x128xf32> to vector<1x128xi32>
    %eq3A_255 = vector.broadcast %convert_element_type3A_254 : vector<1x128xi32> to vector<8x128xi32>
    %eq3A_256 = arith.cmpi eq, %iota3A_215, %eq3A_255 : vector<8x128xi32>
    %convert_element_type3A_257 = arith.extui %eq3A_256 : vector<8x128xi1> to vector<8x128xi32>
    %convert_element_type3A_258 = arith.sitofp %convert_element_type3A_257 : vector<8x128xi32> to vector<8x128xf32>
    %mul3A_259 = vector.broadcast %dot_general3A_161 : vector<8x1xf32> to vector<8x128xf32>
    %mul3A_260 = arith.mulf %convert_element_type3A_258, %mul3A_259 : vector<8x128xf32>
    %reduce_sum3A_261 = arith.constant dense<0.000000e+00> : vector<128xf32>
    %reduce_sum3A_262 = vector.multi_reduction <add>, %mul3A_260, %reduce_sum3A_261 [0] : vector<8x128xf32> to vector<128xf32>
    %broadcast_in_dim3A_263 = vector.shape_cast %reduce_sum3A_262 : vector<128xf32> to vector<1x128xf32>
    %eq3A_264 = arith.constant 8.000000e+00 : f32
    %eq3A_265 = vector.broadcast %eq3A_264 : f32 to vector<1x128xf32>
    %eq3A_266 = arith.cmpf oeq, %convert_element_type3A_203, %eq3A_265 : vector<1x128xf32>
    %convert_element_type3A_267 = arith.extui %eq3A_266 : vector<1x128xi1> to vector<1x128xi32>
    %convert_element_type3A_268 = arith.sitofp %convert_element_type3A_267 : vector<1x128xi32> to vector<1x128xf32>
    %mul3A_269 = arith.constant 4.096000e+03 : f32
    %mul3A_270 = vector.broadcast %mul3A_269 : f32 to vector<1x128xf32>
    %mul3A_271 = arith.mulf %convert_element_type3A_268, %mul3A_270 : vector<1x128xf32>
    %add3A_272 = arith.addf %broadcast_in_dim3A_263, %mul3A_271 : vector<1x128xf32>
    %broadcast_in_dim3A_273 = arith.constant 0.000000e+00 : f32
    %broadcast_in_dim3A_274 = vector.broadcast %broadcast_in_dim3A_273 : f32 to vector<4x128xf32>
    %concatenate3A_275 = tpu.concatenate %add3A_272, %select_n3A_253, %select_n3A_247, %convert_element_type3A_239, %broadcast_in_dim3A_274 in 0 : vector<1x128xf32>, vector<1x128xf32>, vector<1x128xf32>, vector<1x128xf32>, vector<4x128xf32> -> vector<8x128xf32>
    %convert_element_type3A_276 = arith.fptosi %concatenate3A_275 : vector<8x128xf32> to vector<8x128xi32>
    %swap3A_277 = arith.constant 0 : index
    %swap3A_278 = arith.constant 0 : index
    %swap3A_279 = vector.load %arg4[%swap3A_277, %swap3A_278] : memref<8x128xi32, #tpu.memory_space<vmem>>, vector<8x128xi32>
    tpu.vector_store %arg4[%swap3A_277, %swap3A_278], %convert_element_type3A_276 {strides = array<i32>} : memref<8x128xi32, #tpu.memory_space<vmem>>, vector<8x128xi32>,
    %broadcast_in_dim3A_280 = arith.constant 0.000000e+00 : f32
    %broadcast_in_dim3A_281 = vector.broadcast %broadcast_in_dim3A_280 : f32 to vector<6x2048xf32>
    %concatenate3A_282 = tpu.concatenate %div3A, %div3A_92, %broadcast_in_dim3A_281 in 0 : vector<1x2048xf32>, vector<1x2048xf32>, vector<6x2048xf32> -> vector<8x2048xf32>
    %iota3A_283 = tpu.iota {dimensions = array<i32: 0>} : vector<512x2048xi32>
    %add3A_284 = arith.constant 0 : i32
    %add3A_285 = vector.broadcast %add3A_284 : i32 to vector<512x2048xi32>
    %add3A_286 = arith.addi %iota3A_283, %add3A_285 : vector<512x2048xi32>
    %iota3A_287 = tpu.iota {dimensions = array<i32: 1>} : vector<512x2048xi32>
    %eq3A_288 = arith.cmpi eq, %add3A_286, %iota3A_287 : vector<512x2048xi32>
    %convert_element_type3A_289 = arith.extui %eq3A_288 : vector<512x2048xi1> to vector<512x2048xi32>
    %convert_element_type3A_290 = arith.sitofp %convert_element_type3A_289 : vector<512x2048xi32> to vector<512x2048xf32>
    %dot_general3A_291 = arith.constant dense<0.000000e+00> : vector<512x8xf32>
    %dot_general3A_292 = tpu.matmul %convert_element_type3A_290, %concatenate3A_282, %dot_general3A_291 {dimension_numbers = #tpu.dot_dimension_numbers<[1], [1], [0], [0], [0, 0, 1, 0], [], []>, precision = #tpu.contract_precision<fp32>, transpose_lhs_hint = false} : vector<512x2048xf32>, vector<8x2048xf32>, vector<512x8xf32> -> vector<512x8xf32>
    %iota3A_293 = tpu.iota {dimensions = array<i32: 0>} : vector<512x2048xi32>
    %add3A_294 = arith.constant 512 : i32
    %add3A_295 = vector.broadcast %add3A_294 : i32 to vector<512x2048xi32>
    %add3A_296 = arith.addi %iota3A_293, %add3A_295 : vector<512x2048xi32>
    %iota3A_297 = tpu.iota {dimensions = array<i32: 1>} : vector<512x2048xi32>
    %eq3A_298 = arith.cmpi eq, %add3A_296, %iota3A_297 : vector<512x2048xi32>
    %convert_element_type3A_299 = arith.extui %eq3A_298 : vector<512x2048xi1> to vector<512x2048xi32>
    %convert_element_type3A_300 = arith.sitofp %convert_element_type3A_299 : vector<512x2048xi32> to vector<512x2048xf32>
    %dot_general3A_301 = arith.constant dense<0.000000e+00> : vector<512x8xf32>
    %dot_general3A_302 = tpu.matmul %convert_element_type3A_300, %concatenate3A_282, %dot_general3A_301 {dimension_numbers = #tpu.dot_dimension_numbers<[1], [1], [0], [0], [0, 0, 1, 0], [], []>, precision = #tpu.contract_precision<fp32>, transpose_lhs_hint = false} : vector<512x2048xf32>, vector<8x2048xf32>, vector<512x8xf32> -> vector<512x8xf32>
    %iota3A_303 = tpu.iota {dimensions = array<i32: 0>} : vector<512x2048xi32>
    %add3A_304 = arith.constant 1024 : i32
    %add3A_305 = vector.broadcast %add3A_304 : i32 to vector<512x2048xi32>
    %add3A_306 = arith.addi %iota3A_303, %add3A_305 : vector<512x2048xi32>
    %iota3A_307 = tpu.iota {dimensions = array<i32: 1>} : vector<512x2048xi32>
    %eq3A_308 = arith.cmpi eq, %add3A_306, %iota3A_307 : vector<512x2048xi32>
    %convert_element_type3A_309 = arith.extui %eq3A_308 : vector<512x2048xi1> to vector<512x2048xi32>
    %convert_element_type3A_310 = arith.sitofp %convert_element_type3A_309 : vector<512x2048xi32> to vector<512x2048xf32>
    %dot_general3A_311 = arith.constant dense<0.000000e+00> : vector<512x8xf32>
    %dot_general3A_312 = tpu.matmul %convert_element_type3A_310, %concatenate3A_282, %dot_general3A_311 {dimension_numbers = #tpu.dot_dimension_numbers<[1], [1], [0], [0], [0, 0, 1, 0], [], []>, precision = #tpu.contract_precision<fp32>, transpose_lhs_hint = false} : vector<512x2048xf32>, vector<8x2048xf32>, vector<512x8xf32> -> vector<512x8xf32>
    %iota3A_313 = tpu.iota {dimensions = array<i32: 0>} : vector<512x2048xi32>
    %add3A_314 = arith.constant 1536 : i32
    %add3A_315 = vector.broadcast %add3A_314 : i32 to vector<512x2048xi32>
    %add3A_316 = arith.addi %iota3A_313, %add3A_315 : vector<512x2048xi32>
    %iota3A_317 = tpu.iota {dimensions = array<i32: 1>} : vector<512x2048xi32>
    %eq3A_318 = arith.cmpi eq, %add3A_316, %iota3A_317 : vector<512x2048xi32>
    %convert_element_type3A_319 = arith.extui %eq3A_318 : vector<512x2048xi1> to vector<512x2048xi32>
    %convert_element_type3A_320 = arith.sitofp %convert_element_type3A_319 : vector<512x2048xi32> to vector<512x2048xf32>
    %dot_general3A_321 = arith.constant dense<0.000000e+00> : vector<512x8xf32>
    %dot_general3A_322 = tpu.matmul %convert_element_type3A_320, %concatenate3A_282, %dot_general3A_321 {dimension_numbers = #tpu.dot_dimension_numbers<[1], [1], [0], [0], [0, 0, 1, 0], [], []>, precision = #tpu.contract_precision<fp32>, transpose_lhs_hint = false} : vector<512x2048xf32>, vector<8x2048xf32>, vector<512x8xf32> -> vector<512x8xf32>
    %concatenate3A_323 = tpu.concatenate %dot_general3A_292, %dot_general3A_302, %dot_general3A_312, %dot_general3A_322 in 0 : vector<512x8xf32>, vector<512x8xf32>, vector<512x8xf32>, vector<512x8xf32> -> vector<2048x8xf32>
    %swap3A_324 = arith.constant 0 : index
    %swap3A_325 = arith.constant 0 : index
    %swap3A_326 = vector.load %arg5[%swap3A_324, %swap3A_325] : memref<2048x8xf32, #tpu.memory_space<vmem>>, vector<2048x8xf32>
    tpu.vector_store %arg5[%swap3A_324, %swap3A_325], %concatenate3A_323 {strides = array<i32>} : memref<2048x8xf32, #tpu.memory_space<vmem>>, vector<2048x8xf32>,
    return
  }
}

module attributes {stable_mosaic.version = 14 : i64} {
  func.func @_combine_body(%arg0: i32, %arg1: memref<256x1024xf32, #tpu.memory_space<vmem>>, %arg2: memref<256x1024xf32, #tpu.memory_space<vmem>>, %arg3: memref<256x8xf32, #tpu.memory_space<vmem>>, %arg4: memref<256x1024xf32, #tpu.memory_space<vmem>>) attributes {dimension_semantics = [#tpu.dimension_semantics<arbitrary>], iteration_bounds = array<i64: 8>, scalar_prefetch = 0 : i64, scratch_operands = 0 : i64, tpu.core_type = #tpu.core_type<tc>, window_params = [{transform_indices = @transform_0, window_bounds = array<i64: 256, 1024>}, {transform_indices = @transform_1, window_bounds = array<i64: 256, 1024>}, {transform_indices = @transform_2, window_bounds = array<i64: 256, 8>}, {transform_indices = @transform_3, window_bounds = array<i64: 256, 1024>}]} {
    %get3A = arith.constant 0 : index
    %get3A_0 = arith.constant 0 : index
    %get3A_1 = vector.load %arg3[%get3A, %get3A_0] : memref<256x8xf32, #tpu.memory_space<vmem>>, vector<256x8xf32>
    %get3A_2 = arith.constant 0 : index
    %get3A_3 = arith.constant 0 : index
    %get3A_4 = vector.load %arg1[%get3A_2, %get3A_3] : memref<256x1024xf32, #tpu.memory_space<vmem>>, vector<256x1024xf32>
    %slice3A = vector.extract_strided_slice %get3A_1 {offsets = [0, 0], sizes = [256, 1], strides = [1, 1]} : vector<256x8xf32> to vector<256x1xf32>
    %mul3A = vector.broadcast %slice3A : vector<256x1xf32> to vector<256x1024xf32>
    %mul3A_5 = arith.mulf %get3A_4, %mul3A : vector<256x1024xf32>
    %get3A_6 = arith.constant 0 : index
    %get3A_7 = arith.constant 0 : index
    %get3A_8 = vector.load %arg2[%get3A_6, %get3A_7] : memref<256x1024xf32, #tpu.memory_space<vmem>>, vector<256x1024xf32>
    %slice3A_9 = vector.extract_strided_slice %get3A_1 {offsets = [0, 1], sizes = [256, 1], strides = [1, 1]} : vector<256x8xf32> to vector<256x1xf32>
    %mul3A_10 = vector.broadcast %slice3A_9 : vector<256x1xf32> to vector<256x1024xf32>
    %mul3A_11 = arith.mulf %get3A_8, %mul3A_10 : vector<256x1024xf32>
    %add3A = arith.addf %mul3A_5, %mul3A_11 : vector<256x1024xf32>
    %swap3A = arith.constant 0 : index
    %swap3A_12 = arith.constant 0 : index
    %swap3A_13 = vector.load %arg4[%swap3A, %swap3A_12] : memref<256x1024xf32, #tpu.memory_space<vmem>>, vector<256x1024xf32>
    tpu.vector_store %arg4[%swap3A, %swap3A_12], %add3A {strides = array<i32>} : memref<256x1024xf32, #tpu.memory_space<vmem>>, vector<256x1024xf32>,
    return
  }
  func.func @transform_0(%arg0: i32) -> (i32, i32) {
    %c0_i32 = arith.constant 0 : i32
    %c0_i32_0 = arith.constant 0 : i32
    return %arg0, %c0_i32 : i32, i32
  }
  func.func @transform_1(%arg0: i32) -> (i32, i32) {
    %c0_i32 = arith.constant 0 : i32
    %c0_i32_0 = arith.constant 0 : i32
    return %arg0, %c0_i32 : i32, i32
  }
  func.func @transform_2(%arg0: i32) -> (i32, i32) {
    %c0_i32 = arith.constant 0 : i32
    %c0_i32_0 = arith.constant 0 : i32
    return %arg0, %c0_i32 : i32, i32
  }
  func.func @transform_3(%arg0: i32) -> (i32, i32) {
    %c0_i32 = arith.constant 0 : i32
    %c0_i32_0 = arith.constant 0 : i32
    return %arg0, %c0_i32 : i32, i32
  }
}

module attributes {stable_mosaic.version = 14 : i64} {
  func.func @_gmm_body(%arg0: i32, %arg1: memref<16xi32, #tpu.memory_space<smem>>, %arg2: memref<16xi32, #tpu.memory_space<smem>>, %arg3: memref<16xi32, #tpu.memory_space<smem>>, %arg4: memref<16xi32, #tpu.memory_space<smem>>, %arg5: memref<512x1024xf32, #tpu.memory_space<vmem>>, %arg6: memref<1x1024x1024xf32, #tpu.memory_space<vmem>>, %arg7: memref<1x1024x512xf32, #tpu.memory_space<vmem>>, %arg8: memref<512x1024xf32, #tpu.memory_space<vmem>>) attributes {dimension_semantics = [#tpu.dimension_semantics<arbitrary>], iteration_bounds = array<i64: 16>, scalar_prefetch = 4 : i64, scratch_operands = 0 : i64, tpu.core_type = #tpu.core_type<tc>, window_params = [{transform_indices = @transform_0, window_bounds = array<i64: 512, 1024>}, {transform_indices = @transform_1, window_bounds = array<i64: 1, 1024, 1024>}, {transform_indices = @transform_2, window_bounds = array<i64: 1, 1024, 512>}, {transform_indices = @transform_3, window_bounds = array<i64: 512, 1024>}]} {
    %get3A = arith.index_cast %arg0 : i32 to index
    %get3A_0 = memref.load %arg2[%get3A] : memref<16xi32, #tpu.memory_space<smem>>
    %get3A_1 = arith.index_cast %arg0 : i32 to index
    %get3A_2 = memref.load %arg1[%get3A_1] : memref<16xi32, #tpu.memory_space<smem>>
    %get3A_3 = arith.constant 0 : index
    %get3A_4 = arith.constant 0 : index
    %get3A_5 = vector.load %arg5[%get3A_3, %get3A_4] : memref<512x1024xf32, #tpu.memory_space<vmem>>, vector<512x1024xf32>
    %convert_element_type3A = arith.truncf %get3A_5 : vector<512x1024xf32> to vector<512x1024xbf16>
    %get3A_6 = arith.constant 0 : index
    %get3A_7 = arith.constant 0 : index
    %get3A_8 = arith.constant 0 : index
    %get3A_9 = vector.load %arg6[%get3A_6, %get3A_7, %get3A_8] : memref<1x1024x1024xf32, #tpu.memory_space<vmem>>, vector<1x1024x1024xf32>
    %get3A_10 = vector.shape_cast %get3A_9 : vector<1x1024x1024xf32> to vector<1024x1024xf32>
    %convert_element_type3A_11 = arith.truncf %get3A_10 : vector<1024x1024xf32> to vector<1024x1024xbf16>
    %dot_general3A = arith.constant dense<0.000000e+00> : vector<512x1024xf32>
    %dot_general3A_12 = tpu.matmul %convert_element_type3A, %convert_element_type3A_11, %dot_general3A {dimension_numbers = #tpu.dot_dimension_numbers<[1], [1], [0], [0], [0, 0, 1, 0], [], []>, transpose_lhs_hint = false} : vector<512x1024xbf16>, vector<1024x1024xbf16>, vector<512x1024xf32> -> vector<512x1024xf32>
    %slice3A = vector.extract_strided_slice %dot_general3A_12 {offsets = [0, 0], sizes = [512, 512], strides = [1, 1]} : vector<512x1024xf32> to vector<512x512xf32>
    %slice3A_13 = vector.extract_strided_slice %dot_general3A_12 {offsets = [0, 512], sizes = [512, 512], strides = [1, 1]} : vector<512x1024xf32> to vector<512x512xf32>
    %logistic3A = arith.negf %slice3A : vector<512x512xf32>
    %logistic3A_14 = math.exp %logistic3A : vector<512x512xf32>
    %logistic3A_15 = arith.constant 1.000000e+00 : f32
    %logistic3A_16 = vector.broadcast %logistic3A_15 : f32 to vector<512x512xf32>
    %logistic3A_17 = arith.addf %logistic3A_16, %logistic3A_14 : vector<512x512xf32>
    %logistic3A_18 = arith.divf %logistic3A_16, %logistic3A_17 : vector<512x512xf32>
    %mul3A = arith.mulf %slice3A, %logistic3A_18 : vector<512x512xf32>
    %mul3A_19 = arith.mulf %mul3A, %slice3A_13 : vector<512x512xf32>
    %iota3A = tpu.iota {dimensions = array<i32: 0>} : vector<512x1xi32>
    %mul3A_20 = arith.constant 512 : i32
    %mul3A_21 = arith.muli %get3A_2, %mul3A_20 : i32
    %add3A = vector.broadcast %mul3A_21 : i32 to vector<512x1xi32>
    %add3A_22 = arith.addi %iota3A, %add3A : vector<512x1xi32>
    %get3A_23 = arith.index_cast %get3A_0 : i32 to index
    %get3A_24 = memref.load %arg3[%get3A_23] : memref<16xi32, #tpu.memory_space<smem>>
    %ge3A = vector.broadcast %get3A_24 : i32 to vector<512x1xi32>
    %ge3A_25 = arith.cmpi sge, %add3A_22, %ge3A : vector<512x1xi32>
    %add3A_26 = arith.constant 1 : i32
    %add3A_27 = arith.addi %get3A_0, %add3A_26 : i32
    %get3A_28 = arith.index_cast %add3A_27 : i32 to index
    %get3A_29 = memref.load %arg3[%get3A_28] : memref<16xi32, #tpu.memory_space<smem>>
    %lt3A = vector.broadcast %get3A_29 : i32 to vector<512x1xi32>
    %lt3A_30 = arith.cmpi slt, %add3A_22, %lt3A : vector<512x1xi32>
    %and3A = arith.andi %ge3A_25, %lt3A_30 : vector<512x1xi1>
    %get3A_31 = arith.index_cast %arg0 : i32 to index
    %get3A_32 = memref.load %arg4[%get3A_31] : memref<16xi32, #tpu.memory_space<smem>>
    %gt3A = arith.constant 0 : i32
    %gt3A_33 = arith.cmpi sgt, %get3A_32, %gt3A : i32
    %and3A_34 = vector.broadcast %gt3A_33 : i1 to vector<512x1xi1>
    %and3A_35 = arith.andi %and3A, %and3A_34 : vector<512x1xi1>
    %convert_element_type3A_36 = arith.extui %and3A_35 : vector<512x1xi1> to vector<512x1xi32>
    %convert_element_type3A_37 = arith.sitofp %convert_element_type3A_36 : vector<512x1xi32> to vector<512x1xf32>
    %mul3A_38 = vector.broadcast %convert_element_type3A_37 : vector<512x1xf32> to vector<512x512xf32>
    %mul3A_39 = arith.mulf %mul3A_19, %mul3A_38 : vector<512x512xf32>
    %convert_element_type3A_40 = arith.truncf %mul3A_39 : vector<512x512xf32> to vector<512x512xbf16>
    %get3A_41 = arith.constant 0 : index
    %get3A_42 = arith.constant 0 : index
    %get3A_43 = arith.constant 0 : index
    %get3A_44 = vector.load %arg7[%get3A_41, %get3A_42, %get3A_43] : memref<1x1024x512xf32, #tpu.memory_space<vmem>>, vector<1x1024x512xf32>
    %get3A_45 = vector.shape_cast %get3A_44 : vector<1x1024x512xf32> to vector<1024x512xf32>
    %convert_element_type3A_46 = arith.truncf %get3A_45 : vector<1024x512xf32> to vector<1024x512xbf16>
    %dot_general3A_47 = arith.constant dense<0.000000e+00> : vector<512x1024xf32>
    %dot_general3A_48 = tpu.matmul %convert_element_type3A_40, %convert_element_type3A_46, %dot_general3A_47 {dimension_numbers = #tpu.dot_dimension_numbers<[1], [1], [0], [0], [0, 0, 1, 0], [], []>, transpose_lhs_hint = false} : vector<512x512xbf16>, vector<1024x512xbf16>, vector<512x1024xf32> -> vector<512x1024xf32>
    %eq3A = arith.constant 0 : i32
    %eq3A_49 = arith.cmpi eq, %arg0, %eq3A : i32
    %sub3A = arith.constant 1 : i32
    %sub3A_50 = arith.subi %arg0, %sub3A : i32
    %max3A = arith.constant 0 : i32
    %max3A_51 = arith.maxsi %sub3A_50, %max3A : i32
    %get3A_52 = arith.index_cast %max3A_51 : i32 to index
    %get3A_53 = memref.load %arg1[%get3A_52] : memref<16xi32, #tpu.memory_space<smem>>
    %ne3A = arith.cmpi ne, %get3A_2, %get3A_53 : i32
    %or3A = arith.ori %eq3A_49, %ne3A : i1
    %get3A_54 = arith.constant 0 : index
    %get3A_55 = arith.constant 0 : index
    %get3A_56 = vector.load %arg8[%get3A_54, %get3A_55] : memref<512x1024xf32, #tpu.memory_space<vmem>>, vector<512x1024xf32>
    %jit3A = arith.constant 0.000000e+00 : f32
    %broadcast_in_dim3A = vector.broadcast %jit3A : f32 to vector<512x1024xf32>
    %select_n3A = arith.select %or3A, %broadcast_in_dim3A, %get3A_56 : vector<512x1024xf32>
    %add3A_57 = arith.addf %select_n3A, %dot_general3A_48 : vector<512x1024xf32>
    %swap3A = arith.constant 0 : index
    %swap3A_58 = arith.constant 0 : index
    %swap3A_59 = vector.load %arg8[%swap3A, %swap3A_58] : memref<512x1024xf32, #tpu.memory_space<vmem>>, vector<512x1024xf32>
    tpu.vector_store %arg8[%swap3A, %swap3A_58], %add3A_57 {strides = array<i32>} : memref<512x1024xf32, #tpu.memory_space<vmem>>, vector<512x1024xf32>,
    return
  }
  func.func @transform_0(%arg0: i32, %arg1: memref<16xi32, #tpu.memory_space<smem>>, %arg2: memref<16xi32, #tpu.memory_space<smem>>, %arg3: memref<16xi32, #tpu.memory_space<smem>>, %arg4: memref<16xi32, #tpu.memory_space<smem>>) -> (i32, i32) {
    %get3A = arith.index_cast %arg0 : i32 to index
    %get3A_0 = memref.load %arg1[%get3A] : memref<16xi32, #tpu.memory_space<smem>>
    %c0_i32 = arith.constant 0 : i32
    %c0_i32_1 = arith.constant 0 : i32
    return %get3A_0, %c0_i32 : i32, i32
  }
  func.func @transform_1(%arg0: i32, %arg1: memref<16xi32, #tpu.memory_space<smem>>, %arg2: memref<16xi32, #tpu.memory_space<smem>>, %arg3: memref<16xi32, #tpu.memory_space<smem>>, %arg4: memref<16xi32, #tpu.memory_space<smem>>) -> (i32, i32, i32) {
    %get3A = arith.index_cast %arg0 : i32 to index
    %get3A_0 = memref.load %arg2[%get3A] : memref<16xi32, #tpu.memory_space<smem>>
    %c0_i32 = arith.constant 0 : i32
    %c0_i32_1 = arith.constant 0 : i32
    %c0_i32_2 = arith.constant 0 : i32
    return %get3A_0, %c0_i32, %c0_i32_1 : i32, i32, i32
  }
  func.func @transform_2(%arg0: i32, %arg1: memref<16xi32, #tpu.memory_space<smem>>, %arg2: memref<16xi32, #tpu.memory_space<smem>>, %arg3: memref<16xi32, #tpu.memory_space<smem>>, %arg4: memref<16xi32, #tpu.memory_space<smem>>) -> (i32, i32, i32) {
    %get3A = arith.index_cast %arg0 : i32 to index
    %get3A_0 = memref.load %arg2[%get3A] : memref<16xi32, #tpu.memory_space<smem>>
    %c0_i32 = arith.constant 0 : i32
    %c0_i32_1 = arith.constant 0 : i32
    %c0_i32_2 = arith.constant 0 : i32
    return %get3A_0, %c0_i32, %c0_i32_1 : i32, i32, i32
  }
  func.func @transform_3(%arg0: i32, %arg1: memref<16xi32, #tpu.memory_space<smem>>, %arg2: memref<16xi32, #tpu.memory_space<smem>>, %arg3: memref<16xi32, #tpu.memory_space<smem>>, %arg4: memref<16xi32, #tpu.memory_space<smem>>) -> (i32, i32) {
    %get3A = arith.index_cast %arg0 : i32 to index
    %get3A_0 = memref.load %arg1[%get3A] : memref<16xi32, #tpu.memory_space<smem>>
    %c0_i32 = arith.constant 0 : i32
    %c0_i32_1 = arith.constant 0 : i32
    return %get3A_0, %c0_i32 : i32, i32
  }
}

</mosaic_0001>

<sc_bundles>
// kernel: kernel.10.cloned.1.call-start
scs
__scs_entry_jumppad:
0x0: {  	(pc) =	sbr.rel $0x88, $3  }
0x1: {  	(tag) =	ssettag $0x0;
	lr =	simm.s32 $0x1  }
0x2: {  	[smem:$0x3F9C] =	sst lr;
	_ =	strace $0xD0000000  }
0x3: {  	_ = 	snop  }
0x4: {  	_ = 	snop  }
0x5: {  	_ = 	snop  }
0x6: {  	_ = 	snop  }
0x7: {  	_ = 	snop  }
__scs_overlays_trampoline_lowered:
0x8: {  	[smem:$0x3FAB] =	sst s0  }
0x9: {  	[smem:$0x3FAC] =	sst s1  }
0xa: {  	[smem:$0x3FAD] =	sst s2  }
0xb: {  	[smem:$0x3FAE] =	sst s3  }
0xc: {  	[smem:$0x3FAF] =	sst s4  }
0xd: {  	[smem:$0x3FB0] =	sst s5  }
0xe: {  	[smem:$0x3FB1] =	sst s6  }
0xf: {  	[smem:$0x3FB2] =	sst s7  }
0x10: {  	[smem:$0x3FB3] =	sst s8  }
0x11: {  	[smem:$0x3FB4] =	sst s9;
	s0 =	simm.s32 @!p0 $0x0  }
0x12: {  	s1 =	sld [smem:$0x3F9A];
	s0 =	simm.s32 @p0 $0x1  }
0x13: {  	[smem:$0x3FB5] =	sst s0;
	s0 =	simm.s32 @!p1 $0x0  }
0x14: {  	s2 =	sld [smem:$0x3F99];
	s0 =	simm.s32 @p1 $0x1  }
0x15: {  	[smem:$0x3FB6] =	sst s0;
	s0 =	simm.s32 @!p2 $0x0  }
0x16: {  	s3 =	sld [smem:$0x3FDB];
	s0 =	simm.s32 @p2 $0x1  }
0x17: {  	s4 =	simm.s32 $0x1BF5;
	[smem:$0x3FB8] =	sst s0  }
0x18: {  	s0 =	sld [smem:$0x3F9B];
	_ =	swait.ge [sflag:s4], $0x0  }
0x19: {  	s7 =	sld [smem:$0x3F9C]  }
0x1a: {  	s8 =	sadd.s32 $0xFFFFE003, lr  }
0x1b: {  	s9 =	sadd.s32 $0xFFFFFEF7, lr;
	s5 =	simm.s32 $0xFFFFFFFF;
	p2 =	slt.u32 s8, $0xFFFFF086  }
0x1c: {  	p1 =	slt.u32 s9, $0xF7A;
	s5 =	simm.s32 @!p2 $0x0  }
0x1d: {  	s5 =	simm.s32 @p1 $0x1;
	p0 =	seq.s32 s7, s2  }
0x1e: {  	s7 =	smul.u32 @!p0 $0xF7A, s2;
	p2 =	seq.s32 @!p0 s5, $0x0  }
0x1f: {  	s9 =	smul.u32 $0xF7A, s1;
	s8 =	simm.s32 @!p0 $0x1BF5;
	p2 =	por !p2, p0  }
0x20: {  	[sflag:s8] =	ssyncset.s32 @!p0 $0xFFFFF086;
	s6 =	sadd.s32 @!p0 s3, s7;
	s7 =	simm.s32 @!p0 $0x108  }
0x21: {  	s3 =	sadd.s32 s3, s9;
	s6 =	sadd.s32 @!p0 $0x88, s6;
	s7 =	simm.s32 @p2 $0x1082  }
0x22: {  	[simem:s7], [sflag:s8] =	dma.local @!p0 [hbm:s6], $0xF7A  }
0x23: {  	s9 =	sor.u32 $0xD0000000, s2;
	s6 =	simm.s32 $0x108;
	_ =	swait.ge @!p0 [sflag:s8], $0x0  }
0x24: {  	s3 =	sadd.s32 $0x88, s3;
	s6 =	simm.s32 @!p1 $0x1082;
	[sflag:s4] =	ssyncset.s32 $0xFFFFF086  }
0x25: {  	[simem:s6], [sflag:s4] =	dma.local [hbm:s3], $0xF7A  }
0x26: {  	[smem:$0x3F9C] =	sst s1;
	(tag) =	ssettag s2;
	_ =	strace s9  }
0x27: {  	s1 =	sld [smem:$0x3FAC]  }
0x28: {  	s2 =	sld [smem:$0x3FAD]  }
0x29: {  	s4 =	sld [smem:$0x3FAF]  }
0x2a: {  	p0 =	seq.s32 s5, $0x0;
	s5 =	sld [smem:$0x3FB0]  }
0x2b: {  	s6 =	sld [smem:$0x3FB1]  }
0x2c: {  	s7 =	sld [smem:$0x3FB2]  }
0x2d: {  	s3 =	simm.s32 $0x108;
	s8 =	sld [smem:$0x3FB3]  }
0x2e: {  	s3 =	simm.s32 @!p0 $0x1082;
	s9 =	sld [smem:$0x3FB4]  }
0x2f: {  	lr =	sadd.s32 s0, s3;
	s0 =	sld [smem:$0x3FAB]  }
0x30: {  	s3 =	sld [smem:$0x3FAE]  }
0x31: {  	[smem:$0x3FB7] =	sst s10  }
0x32: {  	s10 =	sld [smem:$0x3FB5];
	_ =	sdelay $0x3  }
0x33: {  	p0 =	seq.s32 s10, $0x1;
	s10 =	sld [smem:$0x3FB7];
	_ =	sdelay $0x3  }
0x34: {  	[smem:$0x3FB7] =	sst s10  }
0x35: {  	s10 =	sld [smem:$0x3FB6];
	_ =	sdelay $0x3  }
0x36: {  	p1 =	seq.s32 s10, $0x1;
	s10 =	sld [smem:$0x3FB7];
	_ =	sdelay $0x3  }
0x37: {  	[smem:$0x3FB7] =	sst s10  }
0x38: {  	s10 =	sld [smem:$0x3FB8]  }
0x39: {  	_ = 	snop;
	(pc) =	sbr.ind lr, $3  }
0x3a: {  	_ = 	snop  }
0x3b: {  	_ = 	snop  }
0x3c: {  	p2 =	seq.s32 s10, $0x1;
	s10 =	sld [smem:$0x3FB7]  }
0x3d: {  	_ =	shalt  }
0x3e: {  	_ =	shalt  }
0x3f: {  	_ =	shalt  }
0x40: {  	_ =	shalt  }
0x41: {  	_ =	shalt  }
0x42: {  	_ =	shalt  }
0x43: {  	_ =	shalt  }
0x44: {  	_ =	shalt  }
0x45: {  	_ =	shalt  }
0x46: {  	_ =	shalt  }
0x47: {  	_ =	shalt  }
0x48: {  	_ =	shalt  }
0x49: {  	_ =	shalt  }
0x4a: {  	_ =	shalt  }
0x4b: {  	_ =	shalt  }
0x4c: {  	_ =	shalt  }
0x4d: {  	_ =	shalt  }
0x4e: {  	_ =	shalt  }
0x4f: {  	_ =	shalt  }
0x50: {  	_ =	shalt  }
0x51: {  	_ =	shalt  }
0x52: {  	_ =	shalt  }
0x53: {  	_ =	shalt  }
0x54: {  	_ =	shalt  }
0x55: {  	_ =	shalt  }
0x56: {  	_ =	shalt  }
0x57: {  	_ =	shalt  }
0x58: {  	_ =	shalt  }
0x59: {  	_ =	shalt  }
0x5a: {  	_ =	shalt  }
0x5b: {  	_ =	shalt  }
0x5c: {  	_ =	shalt  }
0x5d: {  	_ =	shalt  }
0x5e: {  	_ =	shalt  }
0x5f: {  	_ =	shalt  }
0x60: {  	_ =	shalt  }
0x61: {  	_ =	shalt  }
0x62: {  	_ =	shalt  }
0x63: {  	_ =	shalt  }
0x64: {  	_ =	shalt  }
0x65: {  	_ =	shalt  }
0x66: {  	_ =	shalt  }
0x67: {  	_ =	shalt  }
0x68: {  	_ =	shalt  }
0x69: {  	_ =	shalt  }
0x6a: {  	_ =	shalt  }
0x6b: {  	_ =	shalt  }
0x6c: {  	_ =	shalt  }
0x6d: {  	_ =	shalt  }
0x6e: {  	_ =	shalt  }
0x6f: {  	_ =	shalt  }
0x70: {  	_ =	shalt  }
0x71: {  	_ =	shalt  }
0x72: {  	_ =	shalt  }
0x73: {  	_ =	shalt  }
0x74: {  	_ =	shalt  }
0x75: {  	_ =	shalt  }
0x76: {  	_ =	shalt  }
0x77: {  	_ =	shalt  }
0x78: {  	_ =	shalt  }
0x79: {  	_ =	shalt  }
0x7a: {  	_ =	shalt  }
0x7b: {  	_ =	shalt  }
0x7c: {  	_ =	shalt  }
0x7d: {  	_ =	shalt  }
0x7e: {  	_ =	shalt  }
0x7f: {  	_ =	shalt  }
0x80: {  	_ =	shalt  }
0x81: {  	_ =	shalt  }
0x82: {  	_ =	shalt  }
0x83: {  	_ =	shalt  }
0x84: {  	_ =	shalt  }
0x85: {  	_ =	shalt  }
0x86: {  	_ =	shalt  }
0x87: {  	_ =	shalt  }
.Lfunc_end0:
.L_simem_size_0:
called_computation.1_lowered:
.L_overlay_start_0:
0x88: {  	s2 =	sld [smem:$0x3FD9]  }
0x89: {  	s3 =	sld [smem:$0x3FFE];
	_ =	sdelay $0x1  }
0x8a: {  	s1 =	srdreg.scid  }
0x8b: {  	s0 =	sand.u32 $0x1, s1  }
0x8c: {  	s17 =	sshll.u32 s0, $0xA;
	s2 =	sadd.s32 s3, s2  }
0x8d: {  	s2 =	sadd.s32 s2, s17  }
0x8e: {  	[smem:$0x3FC3] =	sst s2  }
0x8f: {  	_ = 	snop  }
0x90: {  	s2 =	sld [smem:$0x3FD0];
	(tm) =	ssettm $0x1  }
0x91: {  	s18 =	sld [smem:$0x3FFB];
	_ =	sdelay $0x3  }
0x92: {  	_ =	strace s18  }
0x93: {  	s3 =	sld [smem:$0x3FFC];
	_ =	sdelay $0x3  }
0x94: {  	_ =	strace s3  }
0x95: {  	s3 =	sld [smem:$0x3FFD];
	_ =	sdelay $0x3  }
0x96: {  	_ =	strace s3  }
0x97: {  	_ =	strace $0x8FFFFFFF  }
0x98: {  	s19 =	sld [smem:$0x3FDB];
	_ =	sdelay $0x1  }
0x99: {  	s4 =	simm.s32 $_scs_section_size  }
0x9a: {  	s5 =	simm.s32 $_size__tile_overlayer_lowered;
	s6 =	simm.s32 $_tile_overlayer_lowered  }
0x9b: {  	s22 =	simm.s32 $0x1BFF;
	s21 =	sshll.u32 s6, $0x1;
	s3 =	sadd.s32 s4, s19  }
0x9c: {  	s7 =	simm.s32 $0x0;
	s20 =	sshll.u32 s5, $0x1;
	s5 =	sadd.s32 s21, s3  }
0x9d: {  	[timem:s7], [sflag:s22] =	dma.local [hbm:s5], s20  }
0x9e: {  	_ =	swait.ge [sflag:s22], s20  }
0x9f: {  	s4 =	ssub.s32 $0x0, s20;
	[sflag:s22] =	ssyncset.done $0x0  }
0xa0: {  	[sflag:s22] =	ssyncadd.s32 s4;
	_ =	sdelay $0x1  }
0xa1: {  	s23 =	simm.s32 $0x1B8B  }
0xa2: {  	_ =	swait.ge [sflag:s23], $0x1  }
0xa3: {  	[sflag:s23] =	ssyncset.done $0x0  }
0xa4: {  	s25 =	simm.s32 $0x1B8E;
	s24 =	sld [smem:$0x3FFE];
	[sflag:s23] =	ssyncadd.s32 $0xFFFFFFFF  }
0xa5: {  	s26 =	simm.s32 $execute0_lowered;
	[smem:$0x3FD2] =	sst s25  }
0xa6: {  	s5 =	sshll.u32 s26, $0x1;
	_ =	strace $0x80000049;
	[dreg:$0x1] =	wrdreg $0xFFFFFFFF  }
0xa7: {  	s28 =	simm.s32 $_size_execute0_lowered;
	s3 =	sadd.s32 s3, s5;
	[dreg:$0x0] =	wrdreg $0x0  }
0xa8: {  	s5 =	sshll.u32 s28, $0x1;
	[dreg:$0x2] =	wrdreg s3  }
0xa9: {  	[dreg:$0x3] =	wrdreg s5  }
0xaa: {  	[dreg:$0x4] =	wrdreg $0xC0  }
0xab: {  	_ =	task [dreg:s7], $0x5FFFF  }
0xac: {  	[dreg:$0x1] =	wrdreg $0xFFFFFFFF  }
0xad: {  	[dreg:$0x0] =	wrdreg $0x60  }
0xae: {  	[dreg:$0x2] =	wrdreg s24  }
0xaf: {  	[dreg:$0x3] =	wrdreg s2  }
0xb0: {  	[dreg:$0x4] =	wrdreg $0x9  }
0xb1: {  	_ =	task.clear_ibuf [dreg:s7], $0x5FFFF;
	_ =	strace $0x90000049  }
0xb2: {  	s29 =	simm.s32 $0x9;
	_ =	strace $0x8000004B  }
0xb3: {  	_ =	swait.ge [sflag:s29], $0x1  }
0xb4: {  	[sflag:s29] =	ssyncadd.s32 $0xFFFFFFFF  }
0xb5: {  	_ =	strace $0x9000004B  }
0xb6: {  	_ =	sfence  }
0xb7: {  	s30 =	sld [smem:$0x0];
	_ =	sdelay $0x2  }
0xb8: {  	s31 =	sshll.u32 s1, $0xD;
	s1 =	sshrl.u32 s1, $0x2  }
0xb9: {  	s3 =	sand.u32 $0x4000, s31;
	s1 =	sadd.s32 s1, s30  }
0xba: {  	s0 =	sor.u32 s3, s0;
	s1 =	sshll.u32 s1, $0x11  }
0xbb: {  	s0 =	sor.u32 s1, s0  }
0xbc: {  	s0 =	sadd.s32 $0x8F2B, s0  }
0xbd: {  	[sflag:s0] =	ssyncadd.remote.s32 $0x1  }
0xbe: {  	_ =	sfence.sel $0xFFFF  }
0xbf: {  	[dreg:$0x0] =	wrdreg $0xFFFFFFFF;
	(pc) =	sbr.abs _section_cstart, $3  }
0xc0: {  	[dreg:$0x1] =	wrdreg $0xFFFFFFFF  }
0xc1: {  	_ =	task.clear_ibuf [dreg:s7], $0x2FFFF;
	_ =	strace $0x9FFFFFFF  }
0xc2: {  	(tm) =	ssettm $0x7FFFFFFF  }
0xc3: {  	_ =	shalt  }
tec
execute0_lowered:
.L_overlay_start_1:
0x0: {  	(tag) =	ssettag $0x1  }
0x1: {  	s0 =	srdreg.scid  }
0x2: {  	s1 =	rddreg [dreg:$0x0];
	s2 =	stileid.u32  }
0x3: {  	s5 =	rddreg [dreg:$0x1];
	s26 =	simm.s32 $0x80;
	s18 =	simm.s32 $0x1  }
0x4: {  	s21 =	simm.s32 $0x1100;
	s28 =	simm.s32 $0x4100;
	s29 =	simm.s32 $0x4900  }
0x5: {  	s30 =	simm.s32 $0x5100;
	s31 =	simm.s32 $0x5900;
	s10 =	simm.s32 $0x7100  }
0x6: {  	s11 =	simm.s32 $0x7900;
	s12 =	simm.s32 $0x8100;
	s13 =	simm.s32 $0x8900  }
0x7: {  	s14 =	simm.s32 $0x9100;
	s15 =	simm.s32 $0x9900;
	s16 =	simm.s32 $0xA100  }
0x8: {  	s0 =	sand.u32 $0x1, s0;
	s3 =	sshll.u32 s2, $0x7;
	s2 =	simm.s32 $0x0  }
0x9: {  	s17 =	simm.s32 $0xA900;
	s4 =	sshll.u32 s0, $0x6;
	[smem:$0x7FF] =	sst s2  }
0xa: {  	s0 =	ssub.s32 $0x2, s0;
	s4 =	sor.u32 s4, s3;
	_ =	strace $0x8000004A  }
0xb: {  	s22 =	sshrl.u32 s0, $0x1;
	[dreg:$0x7] =	wrdreg s26;
	s26 =	simm.s32 $0x3900  }
0xc: {  	s3 =	sshrl.u32 s4, $0x3;
	s7 =	sshll.u32 s4, $0x7;
	s0 =	ssub.s32 s0, s22  }
0xd: {  	s4 =	sadd.s32 $0x1D00, s1;
	s22 =	simm.s32 $0x1900;
	s6 =	sadd.s32 s3, s1  }
0xe: {  	s3 =	sadd.s32 $0x1C00, s1;
	s8 =	sadd.s32 s7, s1;
	s24 =	sadd.s32 s5, s7  }
0xf: {  	s5 =	sadd.s32 $0x1E00, s1;
	s7 =	smax.u32 s0, $0x1;
	s0 =	simm.s32 $0x100  }
0x10: {  	s9 =	sadd.s32 $0x1A00, s6;
	s23 =	sadd.s32 $0x1B00, s6;
	[dreg:$0x5] =	wrdreg s24  }
0x11: {  	v2 =	vlaneseq.u32;
	s25 =	sadd.s32 $0x81C00, s8;
	s6 =	sadd.s32 $0x1F00, s1;
	[dreg:$0x3] =	wrdreg s9  }
0x12: {  	vm0 =	vmmov $0xffff;
	v1 =	vshrl.u32 v2, $0x3;
	s8 =	simm.s32 $0x2;
	s24 =	simm.s32 $0x2900;
	[dreg:$0x4] =	wrdreg s23  }
0x13: {  	v0 =	vand.u32 $0x7, v2;
	v2 =	vor.u32 $0x8, v2;
	v1 =	vmul.u32 $0x8, v1;
	[dreg:$0x6] =	wrdreg s25;
	s23 =	simm.s32 $0x2100;
	s25 =	simm.s32 $0x3100  }
.LBB2_1:
0x14: {  	s19 =	rddreg [dreg:$0x3]  }
0x15: {  	[tilespmem:s2], [sflag:$0x2] =	stream.linear.gather [hbm4b:s19+s2], $0x40, $0x38;
	[tilespmem:$0x10100] =	vst v63  }
0x16: {  	_ =	swait.ge [sflag:s8], $0x40  }
0x17: {  	s9 =	rddreg [dreg:$0x4];
	[sflag:s8] =	ssyncset.done $0x0  }
0x18: {  	s20 =	rddreg [dreg:$0x7];
	[sflag:s8] =	ssyncadd.s32 $0xFFFFFFC0  }
0x19: {  	[tilespmem:s20], [sflag:$0x2] =	stream.linear.gather [hbm4b:s9+s2], $0x40, $0x38;
	[tilespmem:$0x10100] =	vst v63  }
0x1a: {  	_ =	swait.ge [sflag:s8], $0x40  }
0x1b: {  	[sflag:s8] =	ssyncset.done $0x0  }
0x1c: {  	[sflag:s8] =	ssyncadd.s32 $0xFFFFFFC0  }
0x1d: {  	v3 =	vld [tilespmem:$0x0];
	_ =	sdelay $0x4  }
0x1e: {  	v4 =	vshll.u32 v3, $0x3  }
0x1f: {  	v3 =	vand.u32 $0x7, v3;
	v4 =	vand.u32 $0xFFFFFFC0, v4  }
0x20: {  	v3 =	vor.u32 v3, v4  }
0x21: {  	v4 =	vperm.xlane v3, v0;
	_ =	sdelay $0x1  }
0x22: {  	v4 =	vadd.s32 v1, v4;
	_ =	sdelay $0x4  }
0x23: {  	[tilespmem:s0], [sflag:$0x1] =	stream.indirect_vreg.gather [hbm4b:s3+s2], $0x80, v4, vm0, $0xb8;
	[tilespmem:$0x10100] =	vst v63  }
0x24: {  	s20 =	simm.s32 $0x900;
	v3 =	vperm.xlane v3, v2  }
0x25: {  	[tilespmem:s20], [sflag:$0x1] =	stream.indirect_vreg.gather [hbm4b:s4+s2], $0x80, v4, vm0, $0xb8;
	[tilespmem:$0x10100] =	vst v63  }
0x26: {  	v3 =	vadd.s32 v1, v3  }
0x27: {  	[tilespmem:s21], [sflag:$0x1] =	stream.indirect_vreg.gather [hbm4b:s5+s2], $0x80, v4, vm0, $0xb8;
	[tilespmem:$0x10100] =	vst v63  }
0x28: {  	_ = 	snop  }
0x29: {  	[tilespmem:s22], [sflag:$0x1] =	stream.indirect_vreg.gather [hbm4b:s6+s2], $0x80, v4, vm0, $0xb8;
	[tilespmem:$0x10100] =	vst v63  }
0x2a: {  	_ = 	snop  }
0x2b: {  	[tilespmem:s23], [sflag:$0x1] =	stream.indirect_vreg.gather [hbm4b:s3+s2], $0x80, v3, vm0, $0xb8;
	[tilespmem:$0x10100] =	vst v63  }
0x2c: {  	_ = 	snop  }
0x2d: {  	[tilespmem:s24], [sflag:$0x1] =	stream.indirect_vreg.gather [hbm4b:s4+s2], $0x80, v3, vm0, $0xb8;
	[tilespmem:$0x10100] =	vst v63  }
0x2e: {  	_ = 	snop  }
0x2f: {  	[tilespmem:s25], [sflag:$0x1] =	stream.indirect_vreg.gather [hbm4b:s5+s2], $0x80, v3, vm0, $0xb8;
	[tilespmem:$0x10100] =	vst v63  }
0x30: {  	_ = 	snop  }
0x31: {  	[tilespmem:s26], [sflag:$0x1] =	stream.indirect_vreg.gather [hbm4b:s6+s2], $0x80, v3, vm0, $0xb8;
	[tilespmem:$0x10100] =	vst v63  }
0x32: {  	v3 =	vld [tilespmem:$0x10];
	_ =	sdelay $0x4  }
0x33: {  	v57 =	vshll.u32 v3, $0x3  }
0x34: {  	v3 =	vand.u32 $0x7, v3;
	v4 =	vand.u32 $0xFFFFFFC0, v57  }
0x35: {  	v3 =	vor.u32 v3, v4  }
0x36: {  	v4 =	vperm.xlane v3, v0;
	_ =	sdelay $0x1  }
0x37: {  	v4 =	vadd.s32 v1, v4;
	_ =	sdelay $0x4  }
0x38: {  	[tilespmem:s28], [sflag:$0x1] =	stream.indirect_vreg.gather [hbm4b:s3+s2], $0x80, v4, vm0, $0xb8;
	[tilespmem:$0x10100] =	vst v63  }
0x39: {  	v3 =	vperm.xlane v3, v2  }
0x3a: {  	[tilespmem:s29], [sflag:$0x1] =	stream.indirect_vreg.gather [hbm4b:s4+s2], $0x80, v4, vm0, $0xb8;
	[tilespmem:$0x10100] =	vst v63  }
0x3b: {  	v3 =	vadd.s32 v1, v3  }
0x3c: {  	[tilespmem:s30], [sflag:$0x1] =	stream.indirect_vreg.gather [hbm4b:s5+s2], $0x80, v4, vm0, $0xb8;
	[tilespmem:$0x10100] =	vst v63  }
0x3d: {  	_ = 	snop  }
0x3e: {  	[tilespmem:s31], [sflag:$0x1] =	stream.indirect_vreg.gather [hbm4b:s6+s2], $0x80, v4, vm0, $0xb8;
	[tilespmem:$0x10100] =	vst v63  }
0x3f: {  	s1 =	simm.s32 $0x6100  }
0x40: {  	[tilespmem:s1], [sflag:$0x1] =	stream.indirect_vreg.gather [hbm4b:s3+s2], $0x80, v3, vm0, $0xb8;
	[tilespmem:$0x10100] =	vst v63  }
0x41: {  	s9 =	simm.s32 $0x6900  }
0x42: {  	[tilespmem:s9], [sflag:$0x1] =	stream.indirect_vreg.gather [hbm4b:s4+s2], $0x80, v3, vm0, $0xb8;
	[tilespmem:$0x10100] =	vst v63  }
0x43: {  	_ = 	snop  }
0x44: {  	[tilespmem:s10], [sflag:$0x1] =	stream.indirect_vreg.gather [hbm4b:s5+s2], $0x80, v3, vm0, $0xb8;
	[tilespmem:$0x10100] =	vst v63  }
0x45: {  	_ = 	snop  }
0x46: {  	[tilespmem:s11], [sflag:$0x1] =	stream.indirect_vreg.gather [hbm4b:s6+s2], $0x80, v3, vm0, $0xb8;
	[tilespmem:$0x10100] =	vst v63  }
0x47: {  	v3 =	vld [tilespmem:$0x20];
	_ =	sdelay $0x4  }
0x48: {  	v58 =	vshll.u32 v3, $0x3  }
0x49: {  	v3 =	vand.u32 $0x7, v3;
	v4 =	vand.u32 $0xFFFFFFC0, v58  }
0x4a: {  	v3 =	vor.u32 v3, v4  }
0x4b: {  	v4 =	vperm.xlane v3, v0;
	_ =	sdelay $0x1  }
0x4c: {  	v4 =	vadd.s32 v1, v4;
	_ =	sdelay $0x4  }
0x4d: {  	[tilespmem:s12], [sflag:$0x1] =	stream.indirect_vreg.gather [hbm4b:s3+s2], $0x80, v4, vm0, $0xb8;
	[tilespmem:$0x10100] =	vst v63  }
0x4e: {  	v3 =	vperm.xlane v3, v2  }
0x4f: {  	[tilespmem:s13], [sflag:$0x1] =	stream.indirect_vreg.gather [hbm4b:s4+s2], $0x80, v4, vm0, $0xb8;
	[tilespmem:$0x10100] =	vst v63  }
0x50: {  	v3 =	vadd.s32 v1, v3  }
0x51: {  	[tilespmem:s14], [sflag:$0x1] =	stream.indirect_vreg.gather [hbm4b:s5+s2], $0x80, v4, vm0, $0xb8;
	[tilespmem:$0x10100] =	vst v63  }
0x52: {  	_ = 	snop  }
0x53: {  	[tilespmem:s15], [sflag:$0x1] =	stream.indirect_vreg.gather [hbm4b:s6+s2], $0x80, v4, vm0, $0xb8;
	[tilespmem:$0x10100] =	vst v63  }
0x54: {  	_ = 	snop  }
0x55: {  	[tilespmem:s16], [sflag:$0x1] =	stream.indirect_vreg.gather [hbm4b:s3+s2], $0x80, v3, vm0, $0xb8;
	[tilespmem:$0x10100] =	vst v63  }
0x56: {  	_ = 	snop  }
0x57: {  	[tilespmem:s17], [sflag:$0x1] =	stream.indirect_vreg.gather [hbm4b:s4+s2], $0x80, v3, vm0, $0xb8;
	[tilespmem:$0x10100] =	vst v63  }
0x58: {  	s9 =	simm.s32 $0xB100  }
0x59: {  	[tilespmem:s9], [sflag:$0x1] =	stream.indirect_vreg.gather [hbm4b:s5+s2], $0x80, v3, vm0, $0xb8;
	[tilespmem:$0x10100] =	vst v63  }
0x5a: {  	s19 =	simm.s32 $0xB900  }
0x5b: {  	[tilespmem:s19], [sflag:$0x1] =	stream.indirect_vreg.gather [hbm4b:s6+s2], $0x80, v3, vm0, $0xb8;
	[tilespmem:$0x10100] =	vst v63  }
0x5c: {  	v3 =	vld [tilespmem:$0x30];
	_ =	sdelay $0x4  }
0x5d: {  	v59 =	vshll.u32 v3, $0x3  }
0x5e: {  	v3 =	vand.u32 $0x7, v3;
	v4 =	vand.u32 $0xFFFFFFC0, v59  }
0x5f: {  	v3 =	vor.u32 v3, v4  }
0x60: {  	v4 =	vperm.xlane v3, v0;
	_ =	sdelay $0x1  }
0x61: {  	v4 =	vadd.s32 v1, v4;
	_ =	sdelay $0x3  }
0x62: {  	s19 =	simm.s32 $0xC100  }
0x63: {  	[tilespmem:s19], [sflag:$0x1] =	stream.indirect_vreg.gather [hbm4b:s3+s2], $0x80, v4, vm0, $0xb8;
	[tilespmem:$0x10100] =	vst v63  }
0x64: {  	v3 =	vperm.xlane v3, v2;
	s19 =	simm.s32 $0xC900  }
0x65: {  	[tilespmem:s19], [sflag:$0x1] =	stream.indirect_vreg.gather [hbm4b:s4+s2], $0x80, v4, vm0, $0xb8;
	[tilespmem:$0x10100] =	vst v63  }
0x66: {  	v3 =	vadd.s32 v1, v3;
	s19 =	simm.s32 $0xD100  }
0x67: {  	[tilespmem:s19], [sflag:$0x1] =	stream.indirect_vreg.gather [hbm4b:s5+s2], $0x80, v4, vm0, $0xb8;
	[tilespmem:$0x10100] =	vst v63  }
0x68: {  	s19 =	simm.s32 $0xD900  }
0x69: {  	[tilespmem:s19], [sflag:$0x1] =	stream.indirect_vreg.gather [hbm4b:s6+s2], $0x80, v4, vm0, $0xb8;
	[tilespmem:$0x10100] =	vst v63  }
0x6a: {  	s19 =	simm.s32 $0xE100  }
0x6b: {  	[tilespmem:s19], [sflag:$0x1] =	stream.indirect_vreg.gather [hbm4b:s3+s2], $0x80, v3, vm0, $0xb8;
	[tilespmem:$0x10100] =	vst v63  }
0x6c: {  	s19 =	simm.s32 $0xE900  }
0x6d: {  	[tilespmem:s19], [sflag:$0x1] =	stream.indirect_vreg.gather [hbm4b:s4+s2], $0x80, v3, vm0, $0xb8;
	[tilespmem:$0x10100] =	vst v63  }
0x6e: {  	s19 =	simm.s32 $0xF100  }
0x6f: {  	[tilespmem:s19], [sflag:$0x1] =	stream.indirect_vreg.gather [hbm4b:s5+s2], $0x80, v3, vm0, $0xb8;
	[tilespmem:$0x10100] =	vst v63  }
0x70: {  	s19 =	simm.s32 $0xF900  }
0x71: {  	[tilespmem:s19], [sflag:$0x1] =	stream.indirect_vreg.gather [hbm4b:s6+s2], $0x80, v3, vm0, $0xb8;
	[tilespmem:$0x10100] =	vst v63  }
0x72: {  	_ =	swait.ge [sflag:s18], $0x10000  }
0x73: {  	[sflag:s18] =	ssyncset.done $0x0  }
0x74: {  	s19 =	rddreg [dreg:$0x5];
	[sflag:s18] =	ssyncadd.s32 $0xFFFF0000  }
0x75: {  	[hbm4b:s19+s2] =	stream.linear.scatter [tilespmem:s0], [sflag:$0x2], $0x10000, $0x38;
	[tilespmem:$0x10100] =	vst v63  }
0x76: {  	_ =	swait.ge [sflag:s8], $0x10000  }
0x77: {  	[sflag:s8] =	ssyncset.done $0x0  }
0x78: {  	[sflag:s8] =	ssyncadd.s32 $0xFFFF0000  }
0x79: {  	v3 =	vld [tilespmem:$0x80];
	_ =	sdelay $0x4  }
0x7a: {  	v60 =	vshll.u32 v3, $0x3  }
0x7b: {  	v3 =	vand.u32 $0x7, v3;
	v4 =	vand.u32 $0xFFFFFFC0, v60  }
0x7c: {  	v3 =	vor.u32 v3, v4  }
0x7d: {  	v4 =	vperm.xlane v3, v0;
	_ =	sdelay $0x1  }
0x7e: {  	v4 =	vadd.s32 v1, v4;
	_ =	sdelay $0x4  }
0x7f: {  	[tilespmem:s0], [sflag:$0x1] =	stream.indirect_vreg.gather [hbm4b:s3+s2], $0x80, v4, vm0, $0xb8;
	[tilespmem:$0x10100] =	vst v63  }
0x80: {  	v3 =	vperm.xlane v3, v2  }
0x81: {  	[tilespmem:s20], [sflag:$0x1] =	stream.indirect_vreg.gather [hbm4b:s4+s2], $0x80, v4, vm0, $0xb8;
	[tilespmem:$0x10100] =	vst v63  }
0x82: {  	v3 =	vadd.s32 v1, v3  }
0x83: {  	[tilespmem:s21], [sflag:$0x1] =	stream.indirect_vreg.gather [hbm4b:s5+s2], $0x80, v4, vm0, $0xb8;
	[tilespmem:$0x10100] =	vst v63  }
0x84: {  	_ = 	snop  }
0x85: {  	[tilespmem:s22], [sflag:$0x1] =	stream.indirect_vreg.gather [hbm4b:s6+s2], $0x80, v4, vm0, $0xb8;
	[tilespmem:$0x10100] =	vst v63  }
0x86: {  	_ = 	snop  }
0x87: {  	[tilespmem:s23], [sflag:$0x1] =	stream.indirect_vreg.gather [hbm4b:s3+s2], $0x80, v3, vm0, $0xb8;
	[tilespmem:$0x10100] =	vst v63  }
0x88: {  	_ = 	snop  }
0x89: {  	[tilespmem:s24], [sflag:$0x1] =	stream.indirect_vreg.gather [hbm4b:s4+s2], $0x80, v3, vm0, $0xb8;
	[tilespmem:$0x10100] =	vst v63  }
0x8a: {  	_ = 	snop  }
0x8b: {  	[tilespmem:s25], [sflag:$0x1] =	stream.indirect_vreg.gather [hbm4b:s5+s2], $0x80, v3, vm0, $0xb8;
	[tilespmem:$0x10100] =	vst v63  }
0x8c: {  	_ = 	snop  }
0x8d: {  	[tilespmem:s26], [sflag:$0x1] =	stream.indirect_vreg.gather [hbm4b:s6+s2], $0x80, v3, vm0, $0xb8;
	[tilespmem:$0x10100] =	vst v63  }
0x8e: {  	v3 =	vld [tilespmem:$0x90];
	_ =	sdelay $0x4  }
0x8f: {  	v61 =	vshll.u32 v3, $0x3  }
0x90: {  	v3 =	vand.u32 $0x7, v3;
	v4 =	vand.u32 $0xFFFFFFC0, v61  }
0x91: {  	v3 =	vor.u32 v3, v4  }
0x92: {  	v4 =	vperm.xlane v3, v0;
	_ =	sdelay $0x1  }
0x93: {  	v4 =	vadd.s32 v1, v4;
	_ =	sdelay $0x4  }
0x94: {  	[tilespmem:s28], [sflag:$0x1] =	stream.indirect_vreg.gather [hbm4b:s3+s2], $0x80, v4, vm0, $0xb8;
	[tilespmem:$0x10100] =	vst v63  }
0x95: {  	v3 =	vperm.xlane v3, v2  }
0x96: {  	[tilespmem:s29], [sflag:$0x1] =	stream.indirect_vreg.gather [hbm4b:s4+s2], $0x80, v4, vm0, $0xb8;
	[tilespmem:$0x10100] =	vst v63  }
0x97: {  	v3 =	vadd.s32 v1, v3  }
0x98: {  	[tilespmem:s30], [sflag:$0x1] =	stream.indirect_vreg.gather [hbm4b:s5+s2], $0x80, v4, vm0, $0xb8;
	[tilespmem:$0x10100] =	vst v63  }
0x99: {  	_ = 	snop  }
0x9a: {  	[tilespmem:s31], [sflag:$0x1] =	stream.indirect_vreg.gather [hbm4b:s6+s2], $0x80, v4, vm0, $0xb8;
	[tilespmem:$0x10100] =	vst v63  }
0x9b: {  	_ = 	snop  }
0x9c: {  	[tilespmem:s1], [sflag:$0x1] =	stream.indirect_vreg.gather [hbm4b:s3+s2], $0x80, v3, vm0, $0xb8;
	[tilespmem:$0x10100] =	vst v63  }
0x9d: {  	s19 =	simm.s32 $0x6900  }
0x9e: {  	[tilespmem:s19], [sflag:$0x1] =	stream.indirect_vreg.gather [hbm4b:s4+s2], $0x80, v3, vm0, $0xb8;
	[tilespmem:$0x10100] =	vst v63  }
0x9f: {  	_ = 	snop  }
0xa0: {  	[tilespmem:s10], [sflag:$0x1] =	stream.indirect_vreg.gather [hbm4b:s5+s2], $0x80, v3, vm0, $0xb8;
	[tilespmem:$0x10100] =	vst v63  }
0xa1: {  	_ = 	snop  }
0xa2: {  	[tilespmem:s11], [sflag:$0x1] =	stream.indirect_vreg.gather [hbm4b:s6+s2], $0x80, v3, vm0, $0xb8;
	[tilespmem:$0x10100] =	vst v63  }
0xa3: {  	v3 =	vld [tilespmem:$0xA0];
	_ =	sdelay $0x4  }
0xa4: {  	v62 =	vshll.u32 v3, $0x3  }
0xa5: {  	v3 =	vand.u32 $0x7, v3;
	v4 =	vand.u32 $0xFFFFFFC0, v62  }
0xa6: {  	v3 =	vor.u32 v3, v4  }
0xa7: {  	v4 =	vperm.xlane v3, v0;
	_ =	sdelay $0x1  }
0xa8: {  	v4 =	vadd.s32 v1, v4;
	_ =	sdelay $0x4  }
0xa9: {  	[tilespmem:s12], [sflag:$0x1] =	stream.indirect_vreg.gather [hbm4b:s3+s2], $0x80, v4, vm0, $0xb8;
	[tilespmem:$0x10100] =	vst v63  }
0xaa: {  	v3 =	vperm.xlane v3, v2  }
0xab: {  	[tilespmem:s13], [sflag:$0x1] =	stream.indirect_vreg.gather [hbm4b:s4+s2], $0x80, v4, vm0, $0xb8;
	[tilespmem:$0x10100] =	vst v63  }
0xac: {  	v3 =	vadd.s32 v1, v3  }
0xad: {  	[tilespmem:s14], [sflag:$0x1] =	stream.indirect_vreg.gather [hbm4b:s5+s2], $0x80, v4, vm0, $0xb8;
	[tilespmem:$0x10100] =	vst v63  }
0xae: {  	_ = 	snop  }
0xaf: {  	[tilespmem:s15], [sflag:$0x1] =	stream.indirect_vreg.gather [hbm4b:s6+s2], $0x80, v4, vm0, $0xb8;
	[tilespmem:$0x10100] =	vst v63  }
0xb0: {  	_ = 	snop  }
0xb1: {  	[tilespmem:s16], [sflag:$0x1] =	stream.indirect_vreg.gather [hbm4b:s3+s2], $0x80, v3, vm0, $0xb8;
	[tilespmem:$0x10100] =	vst v63  }
0xb2: {  	_ = 	snop  }
0xb3: {  	[tilespmem:s17], [sflag:$0x1] =	stream.indirect_vreg.gather [hbm4b:s4+s2], $0x80, v3, vm0, $0xb8;
	[tilespmem:$0x10100] =	vst v63  }
0xb4: {  	_ = 	snop  }
0xb5: {  	[tilespmem:s9], [sflag:$0x1] =	stream.indirect_vreg.gather [hbm4b:s5+s2], $0x80, v3, vm0, $0xb8;
	[tilespmem:$0x10100] =	vst v63  }
0xb6: {  	s20 =	simm.s32 $0xB900  }
0xb7: {  	[tilespmem:s20], [sflag:$0x1] =	stream.indirect_vreg.gather [hbm4b:s6+s2], $0x80, v3, vm0, $0xb8;
	[tilespmem:$0x10100] =	vst v63  }
0xb8: {  	v3 =	vld [tilespmem:$0xB0];
	_ =	sdelay $0x4  }
0xb9: {  	v63 =	vshll.u32 v3, $0x3  }
0xba: {  	v3 =	vand.u32 $0x7, v3;
	v4 =	vand.u32 $0xFFFFFFC0, v63  }
0xbb: {  	v3 =	vor.u32 v3, v4  }
0xbc: {  	v4 =	vperm.xlane v3, v0;
	_ =	sdelay $0x1  }
0xbd: {  	v4 =	vadd.s32 v1, v4;
	_ =	sdelay $0x3  }
0xbe: {  	s9 =	simm.s32 $0xC100  }
0xbf: {  	[tilespmem:s9], [sflag:$0x1] =	stream.indirect_vreg.gather [hbm4b:s3+s2], $0x80, v4, vm0, $0xb8;
	[tilespmem:$0x10100] =	vst v63  }
0xc0: {  	s19 =	simm.s32 $0xC900;
	v3 =	vperm.xlane v3, v2  }
0xc1: {  	[tilespmem:s19], [sflag:$0x1] =	stream.indirect_vreg.gather [hbm4b:s4+s2], $0x80, v4, vm0, $0xb8;
	[tilespmem:$0x10100] =	vst v63  }
0xc2: {  	s20 =	simm.s32 $0xD100;
	v3 =	vadd.s32 v1, v3  }
0xc3: {  	[tilespmem:s20], [sflag:$0x1] =	stream.indirect_vreg.gather [hbm4b:s5+s2], $0x80, v4, vm0, $0xb8;
	[tilespmem:$0x10100] =	vst v63  }
0xc4: {  	s9 =	simm.s32 $0xD900  }
0xc5: {  	[tilespmem:s9], [sflag:$0x1] =	stream.indirect_vreg.gather [hbm4b:s6+s2], $0x80, v4, vm0, $0xb8;
	[tilespmem:$0x10100] =	vst v63  }
0xc6: {  	s19 =	simm.s32 $0xE100  }
0xc7: {  	[tilespmem:s19], [sflag:$0x1] =	stream.indirect_vreg.gather [hbm4b:s3+s2], $0x80, v3, vm0, $0xb8;
	[tilespmem:$0x10100] =	vst v63  }
0xc8: {  	s20 =	simm.s32 $0xE900  }
0xc9: {  	[tilespmem:s20], [sflag:$0x1] =	stream.indirect_vreg.gather [hbm4b:s4+s2], $0x80, v3, vm0, $0xb8;
	[tilespmem:$0x10100] =	vst v63  }
0xca: {  	s9 =	simm.s32 $0xF100  }
0xcb: {  	[tilespmem:s9], [sflag:$0x1] =	stream.indirect_vreg.gather [hbm4b:s5+s2], $0x80, v3, vm0, $0xb8;
	[tilespmem:$0x10100] =	vst v63  }
0xcc: {  	s19 =	simm.s32 $0xF900  }
0xcd: {  	[tilespmem:s19], [sflag:$0x1] =	stream.indirect_vreg.gather [hbm4b:s6+s2], $0x80, v3, vm0, $0xb8;
	[tilespmem:$0x10100] =	vst v63  }
0xce: {  	_ =	swait.ge [sflag:s18], $0x10000  }
0xcf: {  	p0 =	sne.s32 s7, $0x1;
	[sflag:s18] =	ssyncset.done $0x0  }
.Ltmp0:
0xd0: {  	s20 =	rddreg [dreg:$0x6];
	[sflag:s18] =	ssyncadd.s32 $0xFFFF0000;
	(pc) =	sbr.rel @p0 .LBB2_1-.Ltmp0, $4  }
0xd1: {  	[hbm4b:s20+s2] =	stream.linear.scatter [tilespmem:s0], [sflag:$0x2], $0x10000, $0x38;
	[tilespmem:$0x10100] =	vst v63  }
0xd2: {  	_ =	swait.ge [sflag:s8], $0x10000  }
0xd3: {  	[sflag:s8] =	ssyncset.done $0x0  }
0xd4: {  	s7 =	sadd.s32 $0xFFFFFFFF, s7;
	[sflag:s8] =	ssyncadd.s32 $0xFFFF0000  }
0xd5: {  	_ =	sfence.sel $0x180000  }
0xd6: {  	[bflag:$0x0] =	sbarrier.arrive $0xFFFF  }
0xd7: {  	_ =	strace $0x9000004A  }
0xd8: {  	s0 =	stileid.u32;
	[bflag:$0x2] =	sbarrier.arrive $0xFFFF  }
0xd9: {  	p0 =	sne.s32 s0, $0x0;
	s0 =	rddreg [dreg:$0x2]  }
0xda: {  	s0 =	sadd.s32 @!p0 $0x100000, s0  }
0xdb: {  	[sflag:s0] =	ssyncadd.tile.s32 @!p0 $0x1;
	_ =	shalt  }
.Lfunc_end2:
_tile_overlayer_lowered:
.L_overlay_start_2:
0xdc: {  	(tag) =	ssettag $0x2  }
0xdd: {  	s0 =	rddreg [dreg:$0x0];
	s2 =	stileid.u32  }
0xde: {  	s1 =	rddreg [dreg:$0x1];
	p0 =	sne.s32 s2, $0x0  }
0xdf: {  	s3 =	rddreg [dreg:$0x2];
	[bflag:$0x3] =	sbarrier.arrive $0xFFFF;
	s2 =	simm.s32 @!p0 $0x1C02  }
0xe0: {  	[timem:s3], [sflag:s2] =	dma.local @!p0 [hbm:s0], s1  }
0xe1: {  	s0 =	simm.s32 @!p0 $0x2  }
0xe2: {  	_ =	swait.ge @!p0 [sflag:s0], s1  }
0xe3: {  	s1 =	ssub.s32 @!p0 $0x0, s1;
	[sflag:s0] =	ssyncset.done @!p0 $0x0  }
0xe4: {  	[sflag:s0] =	ssyncadd.s32 @!p0 s1  }
0xe5: {  	[bflag:$0x3] =	sbarrier.arrive $0xFFFF  }
0xe6: {  	_ =	shalt  }

// kernel: kernel.7.cloned.1.call-start
scs
__scs_entry_jumppad:
0x0: {  	(pc) =	sbr.rel $0x88, $3  }
0x1: {  	(tag) =	ssettag $0x0;
	lr =	simm.s32 $0x1  }
0x2: {  	[smem:$0x3F9C] =	sst lr;
	_ =	strace $0xD0000000  }
0x3: {  	_ = 	snop  }
0x4: {  	_ = 	snop  }
0x5: {  	_ = 	snop  }
0x6: {  	_ = 	snop  }
0x7: {  	_ = 	snop  }
__scs_overlays_trampoline_lowered:
0x8: {  	[smem:$0x3FAB] =	sst s0  }
0x9: {  	[smem:$0x3FAC] =	sst s1  }
0xa: {  	[smem:$0x3FAD] =	sst s2  }
0xb: {  	[smem:$0x3FAE] =	sst s3  }
0xc: {  	[smem:$0x3FAF] =	sst s4  }
0xd: {  	[smem:$0x3FB0] =	sst s5  }
0xe: {  	[smem:$0x3FB1] =	sst s6  }
0xf: {  	[smem:$0x3FB2] =	sst s7  }
0x10: {  	[smem:$0x3FB3] =	sst s8  }
0x11: {  	[smem:$0x3FB4] =	sst s9;
	s0 =	simm.s32 @!p0 $0x0  }
0x12: {  	s1 =	sld [smem:$0x3F9A];
	s0 =	simm.s32 @p0 $0x1  }
0x13: {  	[smem:$0x3FB5] =	sst s0;
	s0 =	simm.s32 @!p1 $0x0  }
0x14: {  	s2 =	sld [smem:$0x3F99];
	s0 =	simm.s32 @p1 $0x1  }
0x15: {  	[smem:$0x3FB6] =	sst s0;
	s0 =	simm.s32 @!p2 $0x0  }
0x16: {  	s3 =	sld [smem:$0x3FDB];
	s0 =	simm.s32 @p2 $0x1  }
0x17: {  	s4 =	simm.s32 $0x1BF5;
	[smem:$0x3FB8] =	sst s0  }
0x18: {  	s0 =	sld [smem:$0x3F9B];
	_ =	swait.ge [sflag:s4], $0x0  }
0x19: {  	s7 =	sld [smem:$0x3F9C]  }
0x1a: {  	s8 =	sadd.s32 $0xFFFFE003, lr  }
0x1b: {  	s9 =	sadd.s32 $0xFFFFFEF7, lr;
	s5 =	simm.s32 $0xFFFFFFFF;
	p2 =	slt.u32 s8, $0xFFFFF086  }
0x1c: {  	p1 =	slt.u32 s9, $0xF7A;
	s5 =	simm.s32 @!p2 $0x0  }
0x1d: {  	s5 =	simm.s32 @p1 $0x1;
	p0 =	seq.s32 s7, s2  }
0x1e: {  	s7 =	smul.u32 @!p0 $0xF7A, s2;
	p2 =	seq.s32 @!p0 s5, $0x0  }
0x1f: {  	s9 =	smul.u32 $0xF7A, s1;
	s8 =	simm.s32 @!p0 $0x1BF5;
	p2 =	por !p2, p0  }
0x20: {  	[sflag:s8] =	ssyncset.s32 @!p0 $0xFFFFF086;
	s6 =	sadd.s32 @!p0 s3, s7;
	s7 =	simm.s32 @!p0 $0x108  }
0x21: {  	s3 =	sadd.s32 s3, s9;
	s6 =	sadd.s32 @!p0 $0x88, s6;
	s7 =	simm.s32 @p2 $0x1082  }
0x22: {  	[simem:s7], [sflag:s8] =	dma.local @!p0 [hbm:s6], $0xF7A  }
0x23: {  	s9 =	sor.u32 $0xD0000000, s2;
	s6 =	simm.s32 $0x108;
	_ =	swait.ge @!p0 [sflag:s8], $0x0  }
0x24: {  	s3 =	sadd.s32 $0x88, s3;
	s6 =	simm.s32 @!p1 $0x1082;
	[sflag:s4] =	ssyncset.s32 $0xFFFFF086  }
0x25: {  	[simem:s6], [sflag:s4] =	dma.local [hbm:s3], $0xF7A  }
0x26: {  	[smem:$0x3F9C] =	sst s1;
	(tag) =	ssettag s2;
	_ =	strace s9  }
0x27: {  	s1 =	sld [smem:$0x3FAC]  }
0x28: {  	s2 =	sld [smem:$0x3FAD]  }
0x29: {  	s4 =	sld [smem:$0x3FAF]  }
0x2a: {  	p0 =	seq.s32 s5, $0x0;
	s5 =	sld [smem:$0x3FB0]  }
0x2b: {  	s6 =	sld [smem:$0x3FB1]  }
0x2c: {  	s7 =	sld [smem:$0x3FB2]  }
0x2d: {  	s3 =	simm.s32 $0x108;
	s8 =	sld [smem:$0x3FB3]  }
0x2e: {  	s3 =	simm.s32 @!p0 $0x1082;
	s9 =	sld [smem:$0x3FB4]  }
0x2f: {  	lr =	sadd.s32 s0, s3;
	s0 =	sld [smem:$0x3FAB]  }
0x30: {  	s3 =	sld [smem:$0x3FAE]  }
0x31: {  	[smem:$0x3FB7] =	sst s10  }
0x32: {  	s10 =	sld [smem:$0x3FB5];
	_ =	sdelay $0x3  }
0x33: {  	p0 =	seq.s32 s10, $0x1;
	s10 =	sld [smem:$0x3FB7];
	_ =	sdelay $0x3  }
0x34: {  	[smem:$0x3FB7] =	sst s10  }
0x35: {  	s10 =	sld [smem:$0x3FB6];
	_ =	sdelay $0x3  }
0x36: {  	p1 =	seq.s32 s10, $0x1;
	s10 =	sld [smem:$0x3FB7];
	_ =	sdelay $0x3  }
0x37: {  	[smem:$0x3FB7] =	sst s10  }
0x38: {  	s10 =	sld [smem:$0x3FB8]  }
0x39: {  	_ = 	snop;
	(pc) =	sbr.ind lr, $3  }
0x3a: {  	_ = 	snop  }
0x3b: {  	_ = 	snop  }
0x3c: {  	p2 =	seq.s32 s10, $0x1;
	s10 =	sld [smem:$0x3FB7]  }
0x3d: {  	_ =	shalt  }
0x3e: {  	_ =	shalt  }
0x3f: {  	_ =	shalt  }
0x40: {  	_ =	shalt  }
0x41: {  	_ =	shalt  }
0x42: {  	_ =	shalt  }
0x43: {  	_ =	shalt  }
0x44: {  	_ =	shalt  }
0x45: {  	_ =	shalt  }
0x46: {  	_ =	shalt  }
0x47: {  	_ =	shalt  }
0x48: {  	_ =	shalt  }
0x49: {  	_ =	shalt  }
0x4a: {  	_ =	shalt  }
0x4b: {  	_ =	shalt  }
0x4c: {  	_ =	shalt  }
0x4d: {  	_ =	shalt  }
0x4e: {  	_ =	shalt  }
0x4f: {  	_ =	shalt  }
0x50: {  	_ =	shalt  }
0x51: {  	_ =	shalt  }
0x52: {  	_ =	shalt  }
0x53: {  	_ =	shalt  }
0x54: {  	_ =	shalt  }
0x55: {  	_ =	shalt  }
0x56: {  	_ =	shalt  }
0x57: {  	_ =	shalt  }
0x58: {  	_ =	shalt  }
0x59: {  	_ =	shalt  }
0x5a: {  	_ =	shalt  }
0x5b: {  	_ =	shalt  }
0x5c: {  	_ =	shalt  }
0x5d: {  	_ =	shalt  }
0x5e: {  	_ =	shalt  }
0x5f: {  	_ =	shalt  }
0x60: {  	_ =	shalt  }
0x61: {  	_ =	shalt  }
0x62: {  	_ =	shalt  }
0x63: {  	_ =	shalt  }
0x64: {  	_ =	shalt  }
0x65: {  	_ =	shalt  }
0x66: {  	_ =	shalt  }
0x67: {  	_ =	shalt  }
0x68: {  	_ =	shalt  }
0x69: {  	_ =	shalt  }
0x6a: {  	_ =	shalt  }
0x6b: {  	_ =	shalt  }
0x6c: {  	_ =	shalt  }
0x6d: {  	_ =	shalt  }
0x6e: {  	_ =	shalt  }
0x6f: {  	_ =	shalt  }
0x70: {  	_ =	shalt  }
0x71: {  	_ =	shalt  }
0x72: {  	_ =	shalt  }
0x73: {  	_ =	shalt  }
0x74: {  	_ =	shalt  }
0x75: {  	_ =	shalt  }
0x76: {  	_ =	shalt  }
0x77: {  	_ =	shalt  }
0x78: {  	_ =	shalt  }
0x79: {  	_ =	shalt  }
0x7a: {  	_ =	shalt  }
0x7b: {  	_ =	shalt  }
0x7c: {  	_ =	shalt  }
0x7d: {  	_ =	shalt  }
0x7e: {  	_ =	shalt  }
0x7f: {  	_ =	shalt  }
0x80: {  	_ =	shalt  }
0x81: {  	_ =	shalt  }
0x82: {  	_ =	shalt  }
0x83: {  	_ =	shalt  }
0x84: {  	_ =	shalt  }
0x85: {  	_ =	shalt  }
0x86: {  	_ =	shalt  }
0x87: {  	_ =	shalt  }
.Lfunc_end0:
.L_simem_size_0:
called_computation_lowered:
.L_overlay_start_0:
0x88: {  	s2 =	sld [smem:$0x3FD9]  }
0x89: {  	s3 =	sld [smem:$0x3FFE];
	_ =	sdelay $0x1  }
0x8a: {  	s1 =	srdreg.scid  }
0x8b: {  	s0 =	sand.u32 $0x1, s1  }
0x8c: {  	s17 =	sshll.u32 s0, $0xA;
	s2 =	sadd.s32 s3, s2  }
0x8d: {  	s2 =	sadd.s32 s2, s17  }
0x8e: {  	[smem:$0x3FC3] =	sst s2  }
0x8f: {  	_ = 	snop  }
0x90: {  	s2 =	sld [smem:$0x3FC9];
	(tm) =	ssettm $0x1  }
0x91: {  	s18 =	sld [smem:$0x3FFB];
	_ =	sdelay $0x3  }
0x92: {  	_ =	strace s18  }
0x93: {  	s3 =	sld [smem:$0x3FFC];
	_ =	sdelay $0x3  }
0x94: {  	_ =	strace s3  }
0x95: {  	s3 =	sld [smem:$0x3FFD];
	_ =	sdelay $0x3  }
0x96: {  	_ =	strace s3  }
0x97: {  	_ =	strace $0x8FFFFFFF  }
0x98: {  	s19 =	sld [smem:$0x3FDB];
	_ =	sdelay $0x1  }
0x99: {  	s4 =	simm.s32 $_scs_section_size  }
0x9a: {  	s5 =	simm.s32 $_size__tile_overlayer_lowered;
	s6 =	simm.s32 $_tile_overlayer_lowered  }
0x9b: {  	s22 =	simm.s32 $0x1BFF;
	s21 =	sshll.u32 s6, $0x1;
	s3 =	sadd.s32 s4, s19  }
0x9c: {  	s7 =	simm.s32 $0x0;
	s20 =	sshll.u32 s5, $0x1;
	s5 =	sadd.s32 s21, s3  }
0x9d: {  	[timem:s7], [sflag:s22] =	dma.local [hbm:s5], s20  }
0x9e: {  	_ =	swait.ge [sflag:s22], s20  }
0x9f: {  	s4 =	ssub.s32 $0x0, s20;
	[sflag:s22] =	ssyncset.done $0x0  }
0xa0: {  	[sflag:s22] =	ssyncadd.s32 s4;
	_ =	sdelay $0x1  }
0xa1: {  	s23 =	simm.s32 $0x1B8B  }
0xa2: {  	_ =	swait.ge [sflag:s23], $0x1  }
0xa3: {  	[sflag:s23] =	ssyncset.done $0x0  }
0xa4: {  	s25 =	simm.s32 $0x1B8E;
	s24 =	sld [smem:$0x3FFE];
	[sflag:s23] =	ssyncadd.s32 $0xFFFFFFFF  }
0xa5: {  	s26 =	simm.s32 $execute0_lowered;
	[smem:$0x3FD2] =	sst s25  }
0xa6: {  	s5 =	sshll.u32 s26, $0x1;
	_ =	strace $0x80000046;
	[dreg:$0x1] =	wrdreg $0xFFFFFFFF  }
0xa7: {  	s28 =	simm.s32 $_size_execute0_lowered;
	s3 =	sadd.s32 s3, s5;
	[dreg:$0x0] =	wrdreg $0x0  }
0xa8: {  	s5 =	sshll.u32 s28, $0x1;
	[dreg:$0x2] =	wrdreg s3  }
0xa9: {  	[dreg:$0x3] =	wrdreg s5  }
0xaa: {  	[dreg:$0x4] =	wrdreg $0xC0  }
0xab: {  	_ =	task [dreg:s7], $0x5FFFF  }
0xac: {  	[dreg:$0x1] =	wrdreg $0xFFFFFFFF  }
0xad: {  	[dreg:$0x0] =	wrdreg $0x60  }
0xae: {  	[dreg:$0x2] =	wrdreg s24  }
0xaf: {  	[dreg:$0x3] =	wrdreg s2  }
0xb0: {  	[dreg:$0x4] =	wrdreg $0x9  }
0xb1: {  	_ =	task.clear_ibuf [dreg:s7], $0x5FFFF;
	_ =	strace $0x90000046  }
0xb2: {  	s29 =	simm.s32 $0x9;
	_ =	strace $0x80000048  }
0xb3: {  	_ =	swait.ge [sflag:s29], $0x1  }
0xb4: {  	[sflag:s29] =	ssyncadd.s32 $0xFFFFFFFF  }
0xb5: {  	_ =	strace $0x90000048  }
0xb6: {  	_ =	sfence  }
0xb7: {  	s30 =	sld [smem:$0x0];
	_ =	sdelay $0x2  }
0xb8: {  	s31 =	sshll.u32 s1, $0xD;
	s1 =	sshrl.u32 s1, $0x2  }
0xb9: {  	s3 =	sand.u32 $0x4000, s31;
	s1 =	sadd.s32 s1, s30  }
0xba: {  	s0 =	sor.u32 s3, s0;
	s1 =	sshll.u32 s1, $0x11  }
0xbb: {  	s0 =	sor.u32 s1, s0  }
0xbc: {  	s0 =	sadd.s32 $0x8F2B, s0  }
0xbd: {  	[sflag:s0] =	ssyncadd.remote.s32 $0x1  }
0xbe: {  	_ =	sfence.sel $0xFFFF  }
0xbf: {  	[dreg:$0x0] =	wrdreg $0xFFFFFFFF;
	(pc) =	sbr.abs _section_cstart, $3  }
0xc0: {  	[dreg:$0x1] =	wrdreg $0xFFFFFFFF  }
0xc1: {  	_ =	task.clear_ibuf [dreg:s7], $0x2FFFF;
	_ =	strace $0x9FFFFFFF  }
0xc2: {  	(tm) =	ssettm $0x7FFFFFFF  }
0xc3: {  	_ =	shalt  }
tec
execute0_lowered:
.L_overlay_start_1:
0x0: {  	(tag) =	ssettag $0x1  }
0x1: {  	s0 =	rddreg [dreg:$0x0]  }
0x2: {  	s1 =	rddreg [dreg:$0x1];
	s2 =	srdreg.scid  }
0x3: {  	s3 =	stileid.u32;
	s26 =	simm.s32 $0x80;
	s9 =	simm.s32 $0x2  }
0x4: {  	s19 =	simm.s32 $0x1;
	s22 =	simm.s32 $0x1100;
	s23 =	simm.s32 $0x1900  }
0x5: {  	s24 =	simm.s32 $0x2100;
	s25 =	simm.s32 $0x2900;
	s28 =	simm.s32 $0x3900  }
0x6: {  	s29 =	simm.s32 $0x4100;
	s30 =	simm.s32 $0x4900;
	s31 =	simm.s32 $0x5100  }
0x7: {  	s11 =	simm.s32 $0x7100;
	s12 =	simm.s32 $0x7900;
	s13 =	simm.s32 $0x8100  }
0x8: {  	s14 =	simm.s32 $0x8900;
	s15 =	simm.s32 $0x9100;
	s16 =	simm.s32 $0x9900  }
0x9: {  	s17 =	simm.s32 $0xA100;
	s18 =	simm.s32 $0xA900;
	s10 =	simm.s32 $0xB100  }
0xa: {  	s4 =	sand.u32 $0x1, s2;
	s2 =	simm.s32 $0x0;
	s3 =	sshll.u32 s3, $0x8  }
0xb: {  	s5 =	sshll.u32 s4, $0x7;
	[smem:$0x7FF] =	sst s2;
	s4 =	ssub.s32 $0x2, s4  }
0xc: {  	s5 =	sor.u32 s5, s3;
	_ =	strace $0x80000047;
	s7 =	sshrl.u32 s4, $0x1  }
0xd: {  	[dreg:$0x6] =	wrdreg s26;
	s26 =	simm.s32 $0x3100;
	s3 =	sshrl.u32 s5, $0x3  }
0xe: {  	s5 =	sshll.u32 s5, $0x7;
	s4 =	ssub.s32 s4, s7;
	s6 =	sadd.s32 s3, s0  }
0xf: {  	s7 =	sadd.s32 $0x1F00, s0;
	s3 =	sadd.s32 $0x1C00, s0;
	s8 =	sadd.s32 $0x1A00, s6  }
0x10: {  	s5 =	sand.u32 $0x3C000, s5;
	s6 =	sadd.s32 $0x1A08, s6;
	[dreg:$0x3] =	wrdreg s8  }
0x11: {  	v2 =	vlaneseq.u32;
	s1 =	sadd.s32 s1, s5;
	s5 =	sadd.s32 $0x1D00, s0;
	[dreg:$0x4] =	wrdreg s6  }
0x12: {  	vm0 =	vmmov $0xffff;
	v1 =	vshrl.u32 v2, $0x3;
	s6 =	sadd.s32 $0x1E00, s0;
	[dreg:$0x7] =	wrdreg s1;
	s1 =	sadd.s32 $0x2000, s1  }
0x13: {  	v0 =	vand.u32 $0x7, v2;
	v2 =	vor.u32 $0x8, v2;
	v1 =	vmul.u32 $0x8, v1;
	s8 =	smax.u32 s4, $0x1;
	s4 =	simm.s32 $0x6900;
	[dreg:$0x5] =	wrdreg s1  }
.LBB2_1:
0x14: {  	s20 =	rddreg [dreg:$0x3]  }
0x15: {  	[tilespmem:s2], [sflag:$0x2] =	stream.linear.gather [hbm4b:s20+s2], $0x40, $0x38;
	[tilespmem:$0x10100] =	vst v63  }
0x16: {  	_ =	swait.ge [sflag:s9], $0x40  }
0x17: {  	s0 =	rddreg [dreg:$0x4];
	[sflag:s9] =	ssyncset.done $0x0  }
0x18: {  	s21 =	rddreg [dreg:$0x6];
	[sflag:s9] =	ssyncadd.s32 $0xFFFFFFC0  }
0x19: {  	[tilespmem:s21], [sflag:$0x2] =	stream.linear.gather [hbm4b:s0+s2], $0x40, $0x38;
	[tilespmem:$0x10100] =	vst v63  }
0x1a: {  	_ =	swait.ge [sflag:s9], $0x40  }
0x1b: {  	[sflag:s9] =	ssyncset.done $0x0  }
0x1c: {  	s0 =	simm.s32 $0x100;
	s1 =	rddreg [dreg:$0x7];
	[sflag:s9] =	ssyncadd.s32 $0xFFFFFFC0  }
0x1d: {  	[tilespmem:s0], [sflag:$0x2] =	stream.linear.gather [hbm4b:s1+s2], $0x10000, $0x38;
	[tilespmem:$0x10100] =	vst v63  }
0x1e: {  	_ =	swait.ge [sflag:s9], $0x10000  }
0x1f: {  	[sflag:s9] =	ssyncset.done $0x0  }
0x20: {  	[sflag:s9] =	ssyncadd.s32 $0xFFFF0000  }
0x21: {  	v3 =	vld [tilespmem:$0x0];
	_ =	sdelay $0x4  }
0x22: {  	v4 =	vshll.u32 v3, $0x3  }
0x23: {  	v3 =	vand.u32 $0x7, v3;
	v4 =	vand.u32 $0xFFFFFFC0, v4  }
0x24: {  	v3 =	vor.u32 v3, v4  }
0x25: {  	v4 =	vperm.xlane v3, v0;
	_ =	sdelay $0x1  }
0x26: {  	v4 =	vadd.s32 v1, v4;
	_ =	sdelay $0x4  }
0x27: {  	[hbm4b:s3+s2] =	stream.indirect_vreg.scatter [tilespmem:s0], [sflag:$0x1], $0x80, v4, vm0, $0xb8;
	[tilespmem:$0x10100] =	vst v63  }
0x28: {  	s21 =	simm.s32 $0x900;
	v3 =	vperm.xlane v3, v2  }
0x29: {  	[hbm4b:s5+s2] =	stream.indirect_vreg.scatter [tilespmem:s21], [sflag:$0x1], $0x80, v4, vm0, $0xb8;
	[tilespmem:$0x10100] =	vst v63  }
0x2a: {  	v3 =	vadd.s32 v1, v3  }
0x2b: {  	[hbm4b:s6+s2] =	stream.indirect_vreg.scatter [tilespmem:s22], [sflag:$0x1], $0x80, v4, vm0, $0xb8;
	[tilespmem:$0x10100] =	vst v63  }
0x2c: {  	_ = 	snop  }
0x2d: {  	[hbm4b:s7+s2] =	stream.indirect_vreg.scatter [tilespmem:s23], [sflag:$0x1], $0x80, v4, vm0, $0xb8;
	[tilespmem:$0x10100] =	vst v63  }
0x2e: {  	_ = 	snop  }
0x2f: {  	[hbm4b:s3+s2] =	stream.indirect_vreg.scatter [tilespmem:s24], [sflag:$0x1], $0x80, v3, vm0, $0xb8;
	[tilespmem:$0x10100] =	vst v63  }
0x30: {  	_ = 	snop  }
0x31: {  	[hbm4b:s5+s2] =	stream.indirect_vreg.scatter [tilespmem:s25], [sflag:$0x1], $0x80, v3, vm0, $0xb8;
	[tilespmem:$0x10100] =	vst v63  }
0x32: {  	_ = 	snop  }
0x33: {  	[hbm4b:s6+s2] =	stream.indirect_vreg.scatter [tilespmem:s26], [sflag:$0x1], $0x80, v3, vm0, $0xb8;
	[tilespmem:$0x10100] =	vst v63  }
0x34: {  	_ = 	snop  }
0x35: {  	[hbm4b:s7+s2] =	stream.indirect_vreg.scatter [tilespmem:s28], [sflag:$0x1], $0x80, v3, vm0, $0xb8;
	[tilespmem:$0x10100] =	vst v63  }
0x36: {  	v3 =	vld [tilespmem:$0x10];
	_ =	sdelay $0x4  }
0x37: {  	v57 =	vshll.u32 v3, $0x3  }
0x38: {  	v3 =	vand.u32 $0x7, v3;
	v4 =	vand.u32 $0xFFFFFFC0, v57  }
0x39: {  	v3 =	vor.u32 v3, v4  }
0x3a: {  	v4 =	vperm.xlane v3, v0;
	_ =	sdelay $0x1  }
0x3b: {  	v4 =	vadd.s32 v1, v4;
	_ =	sdelay $0x4  }
0x3c: {  	[hbm4b:s3+s2] =	stream.indirect_vreg.scatter [tilespmem:s29], [sflag:$0x1], $0x80, v4, vm0, $0xb8;
	[tilespmem:$0x10100] =	vst v63  }
0x3d: {  	v3 =	vperm.xlane v3, v2  }
0x3e: {  	[hbm4b:s5+s2] =	stream.indirect_vreg.scatter [tilespmem:s30], [sflag:$0x1], $0x80, v4, vm0, $0xb8;
	[tilespmem:$0x10100] =	vst v63  }
0x3f: {  	v3 =	vadd.s32 v1, v3  }
0x40: {  	[hbm4b:s6+s2] =	stream.indirect_vreg.scatter [tilespmem:s31], [sflag:$0x1], $0x80, v4, vm0, $0xb8;
	[tilespmem:$0x10100] =	vst v63  }
0x41: {  	s1 =	simm.s32 $0x5900  }
0x42: {  	[hbm4b:s7+s2] =	stream.indirect_vreg.scatter [tilespmem:s1], [sflag:$0x1], $0x80, v4, vm0, $0xb8;
	[tilespmem:$0x10100] =	vst v63  }
0x43: {  	s1 =	simm.s32 $0x6100  }
0x44: {  	[hbm4b:s3+s2] =	stream.indirect_vreg.scatter [tilespmem:s1], [sflag:$0x1], $0x80, v3, vm0, $0xb8;
	[tilespmem:$0x10100] =	vst v63  }
0x45: {  	_ = 	snop  }
0x46: {  	[hbm4b:s5+s2] =	stream.indirect_vreg.scatter [tilespmem:s4], [sflag:$0x1], $0x80, v3, vm0, $0xb8;
	[tilespmem:$0x10100] =	vst v63  }
0x47: {  	_ = 	snop  }
0x48: {  	[hbm4b:s6+s2] =	stream.indirect_vreg.scatter [tilespmem:s11], [sflag:$0x1], $0x80, v3, vm0, $0xb8;
	[tilespmem:$0x10100] =	vst v63  }
0x49: {  	_ = 	snop  }
0x4a: {  	[hbm4b:s7+s2] =	stream.indirect_vreg.scatter [tilespmem:s12], [sflag:$0x1], $0x80, v3, vm0, $0xb8;
	[tilespmem:$0x10100] =	vst v63  }
0x4b: {  	v3 =	vld [tilespmem:$0x20];
	_ =	sdelay $0x4  }
0x4c: {  	v58 =	vshll.u32 v3, $0x3  }
0x4d: {  	v3 =	vand.u32 $0x7, v3;
	v4 =	vand.u32 $0xFFFFFFC0, v58  }
0x4e: {  	v3 =	vor.u32 v3, v4  }
0x4f: {  	v4 =	vperm.xlane v3, v0;
	_ =	sdelay $0x1  }
0x50: {  	v4 =	vadd.s32 v1, v4;
	_ =	sdelay $0x4  }
0x51: {  	[hbm4b:s3+s2] =	stream.indirect_vreg.scatter [tilespmem:s13], [sflag:$0x1], $0x80, v4, vm0, $0xb8;
	[tilespmem:$0x10100] =	vst v63  }
0x52: {  	v3 =	vperm.xlane v3, v2  }
0x53: {  	[hbm4b:s5+s2] =	stream.indirect_vreg.scatter [tilespmem:s14], [sflag:$0x1], $0x80, v4, vm0, $0xb8;
	[tilespmem:$0x10100] =	vst v63  }
0x54: {  	v3 =	vadd.s32 v1, v3  }
0x55: {  	[hbm4b:s6+s2] =	stream.indirect_vreg.scatter [tilespmem:s15], [sflag:$0x1], $0x80, v4, vm0, $0xb8;
	[tilespmem:$0x10100] =	vst v63  }
0x56: {  	_ = 	snop  }
0x57: {  	[hbm4b:s7+s2] =	stream.indirect_vreg.scatter [tilespmem:s16], [sflag:$0x1], $0x80, v4, vm0, $0xb8;
	[tilespmem:$0x10100] =	vst v63  }
0x58: {  	_ = 	snop  }
0x59: {  	[hbm4b:s3+s2] =	stream.indirect_vreg.scatter [tilespmem:s17], [sflag:$0x1], $0x80, v3, vm0, $0xb8;
	[tilespmem:$0x10100] =	vst v63  }
0x5a: {  	_ = 	snop  }
0x5b: {  	[hbm4b:s5+s2] =	stream.indirect_vreg.scatter [tilespmem:s18], [sflag:$0x1], $0x80, v3, vm0, $0xb8;
	[tilespmem:$0x10100] =	vst v63  }
0x5c: {  	_ = 	snop  }
0x5d: {  	[hbm4b:s6+s2] =	stream.indirect_vreg.scatter [tilespmem:s10], [sflag:$0x1], $0x80, v3, vm0, $0xb8;
	[tilespmem:$0x10100] =	vst v63  }
0x5e: {  	s20 =	simm.s32 $0xB900  }
0x5f: {  	[hbm4b:s7+s2] =	stream.indirect_vreg.scatter [tilespmem:s20], [sflag:$0x1], $0x80, v3, vm0, $0xb8;
	[tilespmem:$0x10100] =	vst v63  }
0x60: {  	v3 =	vld [tilespmem:$0x30];
	_ =	sdelay $0x4  }
0x61: {  	v59 =	vshll.u32 v3, $0x3  }
0x62: {  	v3 =	vand.u32 $0x7, v3;
	v4 =	vand.u32 $0xFFFFFFC0, v59  }
0x63: {  	v3 =	vor.u32 v3, v4  }
0x64: {  	v4 =	vperm.xlane v3, v0;
	_ =	sdelay $0x1  }
0x65: {  	v4 =	vadd.s32 v1, v4;
	_ =	sdelay $0x3  }
0x66: {  	s20 =	simm.s32 $0xC100  }
0x67: {  	[hbm4b:s3+s2] =	stream.indirect_vreg.scatter [tilespmem:s20], [sflag:$0x1], $0x80, v4, vm0, $0xb8;
	[tilespmem:$0x10100] =	vst v63  }
0x68: {  	v3 =	vperm.xlane v3, v2;
	s20 =	simm.s32 $0xC900  }
0x69: {  	[hbm4b:s5+s2] =	stream.indirect_vreg.scatter [tilespmem:s20], [sflag:$0x1], $0x80, v4, vm0, $0xb8;
	[tilespmem:$0x10100] =	vst v63  }
0x6a: {  	v3 =	vadd.s32 v1, v3;
	s20 =	simm.s32 $0xD100  }
0x6b: {  	[hbm4b:s6+s2] =	stream.indirect_vreg.scatter [tilespmem:s20], [sflag:$0x1], $0x80, v4, vm0, $0xb8;
	[tilespmem:$0x10100] =	vst v63  }
0x6c: {  	s20 =	simm.s32 $0xD900  }
0x6d: {  	[hbm4b:s7+s2] =	stream.indirect_vreg.scatter [tilespmem:s20], [sflag:$0x1], $0x80, v4, vm0, $0xb8;
	[tilespmem:$0x10100] =	vst v63  }
0x6e: {  	s20 =	simm.s32 $0xE100  }
0x6f: {  	[hbm4b:s3+s2] =	stream.indirect_vreg.scatter [tilespmem:s20], [sflag:$0x1], $0x80, v3, vm0, $0xb8;
	[tilespmem:$0x10100] =	vst v63  }
0x70: {  	s20 =	simm.s32 $0xE900  }
0x71: {  	[hbm4b:s5+s2] =	stream.indirect_vreg.scatter [tilespmem:s20], [sflag:$0x1], $0x80, v3, vm0, $0xb8;
	[tilespmem:$0x10100] =	vst v63  }
0x72: {  	s20 =	simm.s32 $0xF100  }
0x73: {  	[hbm4b:s6+s2] =	stream.indirect_vreg.scatter [tilespmem:s20], [sflag:$0x1], $0x80, v3, vm0, $0xb8;
	[tilespmem:$0x10100] =	vst v63  }
0x74: {  	s20 =	simm.s32 $0xF900  }
0x75: {  	[hbm4b:s7+s2] =	stream.indirect_vreg.scatter [tilespmem:s20], [sflag:$0x1], $0x80, v3, vm0, $0xb8;
	[tilespmem:$0x10100] =	vst v63  }
0x76: {  	_ =	swait.ge [sflag:s19], $0x10000  }
0x77: {  	[sflag:s19] =	ssyncset.done $0x0  }
0x78: {  	s20 =	rddreg [dreg:$0x5];
	[sflag:s19] =	ssyncadd.s32 $0xFFFF0000  }
0x79: {  	[tilespmem:s0], [sflag:$0x2] =	stream.linear.gather [hbm4b:s20+s2], $0x10000, $0x38;
	[tilespmem:$0x10100] =	vst v63  }
0x7a: {  	_ =	swait.ge [sflag:s9], $0x10000  }
0x7b: {  	[sflag:s9] =	ssyncset.done $0x0  }
0x7c: {  	[sflag:s9] =	ssyncadd.s32 $0xFFFF0000  }
0x7d: {  	v3 =	vld [tilespmem:$0x80];
	_ =	sdelay $0x4  }
0x7e: {  	v60 =	vshll.u32 v3, $0x3  }
0x7f: {  	v3 =	vand.u32 $0x7, v3;
	v4 =	vand.u32 $0xFFFFFFC0, v60  }
0x80: {  	v3 =	vor.u32 v3, v4  }
0x81: {  	v4 =	vperm.xlane v3, v0;
	_ =	sdelay $0x1  }
0x82: {  	v4 =	vadd.s32 v1, v4;
	_ =	sdelay $0x4  }
0x83: {  	[hbm4b:s3+s2] =	stream.indirect_vreg.scatter [tilespmem:s0], [sflag:$0x1], $0x80, v4, vm0, $0xb8;
	[tilespmem:$0x10100] =	vst v63  }
0x84: {  	v3 =	vperm.xlane v3, v2  }
0x85: {  	[hbm4b:s5+s2] =	stream.indirect_vreg.scatter [tilespmem:s21], [sflag:$0x1], $0x80, v4, vm0, $0xb8;
	[tilespmem:$0x10100] =	vst v63  }
0x86: {  	v3 =	vadd.s32 v1, v3  }
0x87: {  	[hbm4b:s6+s2] =	stream.indirect_vreg.scatter [tilespmem:s22], [sflag:$0x1], $0x80, v4, vm0, $0xb8;
	[tilespmem:$0x10100] =	vst v63  }
0x88: {  	_ = 	snop  }
0x89: {  	[hbm4b:s7+s2] =	stream.indirect_vreg.scatter [tilespmem:s23], [sflag:$0x1], $0x80, v4, vm0, $0xb8;
	[tilespmem:$0x10100] =	vst v63  }
0x8a: {  	_ = 	snop  }
0x8b: {  	[hbm4b:s3+s2] =	stream.indirect_vreg.scatter [tilespmem:s24], [sflag:$0x1], $0x80, v3, vm0, $0xb8;
	[tilespmem:$0x10100] =	vst v63  }
0x8c: {  	_ = 	snop  }
0x8d: {  	[hbm4b:s5+s2] =	stream.indirect_vreg.scatter [tilespmem:s25], [sflag:$0x1], $0x80, v3, vm0, $0xb8;
	[tilespmem:$0x10100] =	vst v63  }
0x8e: {  	_ = 	snop  }
0x8f: {  	[hbm4b:s6+s2] =	stream.indirect_vreg.scatter [tilespmem:s26], [sflag:$0x1], $0x80, v3, vm0, $0xb8;
	[tilespmem:$0x10100] =	vst v63  }
0x90: {  	_ = 	snop  }
0x91: {  	[hbm4b:s7+s2] =	stream.indirect_vreg.scatter [tilespmem:s28], [sflag:$0x1], $0x80, v3, vm0, $0xb8;
	[tilespmem:$0x10100] =	vst v63  }
0x92: {  	v3 =	vld [tilespmem:$0x90];
	_ =	sdelay $0x4  }
0x93: {  	v61 =	vshll.u32 v3, $0x3  }
0x94: {  	v3 =	vand.u32 $0x7, v3;
	v4 =	vand.u32 $0xFFFFFFC0, v61  }
0x95: {  	v3 =	vor.u32 v3, v4  }
0x96: {  	v4 =	vperm.xlane v3, v0;
	_ =	sdelay $0x1  }
0x97: {  	v4 =	vadd.s32 v1, v4;
	_ =	sdelay $0x4  }
0x98: {  	[hbm4b:s3+s2] =	stream.indirect_vreg.scatter [tilespmem:s29], [sflag:$0x1], $0x80, v4, vm0, $0xb8;
	[tilespmem:$0x10100] =	vst v63  }
0x99: {  	v3 =	vperm.xlane v3, v2  }
0x9a: {  	[hbm4b:s5+s2] =	stream.indirect_vreg.scatter [tilespmem:s30], [sflag:$0x1], $0x80, v4, vm0, $0xb8;
	[tilespmem:$0x10100] =	vst v63  }
0x9b: {  	v3 =	vadd.s32 v1, v3  }
0x9c: {  	[hbm4b:s6+s2] =	stream.indirect_vreg.scatter [tilespmem:s31], [sflag:$0x1], $0x80, v4, vm0, $0xb8;
	[tilespmem:$0x10100] =	vst v63  }
0x9d: {  	s21 =	simm.s32 $0x5900  }
0x9e: {  	[hbm4b:s7+s2] =	stream.indirect_vreg.scatter [tilespmem:s21], [sflag:$0x1], $0x80, v4, vm0, $0xb8;
	[tilespmem:$0x10100] =	vst v63  }
0x9f: {  	_ = 	snop  }
0xa0: {  	[hbm4b:s3+s2] =	stream.indirect_vreg.scatter [tilespmem:s1], [sflag:$0x1], $0x80, v3, vm0, $0xb8;
	[tilespmem:$0x10100] =	vst v63  }
0xa1: {  	_ = 	snop  }
0xa2: {  	[hbm4b:s5+s2] =	stream.indirect_vreg.scatter [tilespmem:s4], [sflag:$0x1], $0x80, v3, vm0, $0xb8;
	[tilespmem:$0x10100] =	vst v63  }
0xa3: {  	_ = 	snop  }
0xa4: {  	[hbm4b:s6+s2] =	stream.indirect_vreg.scatter [tilespmem:s11], [sflag:$0x1], $0x80, v3, vm0, $0xb8;
	[tilespmem:$0x10100] =	vst v63  }
0xa5: {  	_ = 	snop  }
0xa6: {  	[hbm4b:s7+s2] =	stream.indirect_vreg.scatter [tilespmem:s12], [sflag:$0x1], $0x80, v3, vm0, $0xb8;
	[tilespmem:$0x10100] =	vst v63  }
0xa7: {  	v3 =	vld [tilespmem:$0xA0];
	_ =	sdelay $0x4  }
0xa8: {  	v62 =	vshll.u32 v3, $0x3  }
0xa9: {  	v3 =	vand.u32 $0x7, v3;
	v4 =	vand.u32 $0xFFFFFFC0, v62  }
0xaa: {  	v3 =	vor.u32 v3, v4  }
0xab: {  	v4 =	vperm.xlane v3, v0;
	_ =	sdelay $0x1  }
0xac: {  	v4 =	vadd.s32 v1, v4;
	_ =	sdelay $0x4  }
0xad: {  	[hbm4b:s3+s2] =	stream.indirect_vreg.scatter [tilespmem:s13], [sflag:$0x1], $0x80, v4, vm0, $0xb8;
	[tilespmem:$0x10100] =	vst v63  }
0xae: {  	v3 =	vperm.xlane v3, v2  }
0xaf: {  	[hbm4b:s5+s2] =	stream.indirect_vreg.scatter [tilespmem:s14], [sflag:$0x1], $0x80, v4, vm0, $0xb8;
	[tilespmem:$0x10100] =	vst v63  }
0xb0: {  	v3 =	vadd.s32 v1, v3  }
0xb1: {  	[hbm4b:s6+s2] =	stream.indirect_vreg.scatter [tilespmem:s15], [sflag:$0x1], $0x80, v4, vm0, $0xb8;
	[tilespmem:$0x10100] =	vst v63  }
0xb2: {  	_ = 	snop  }
0xb3: {  	[hbm4b:s7+s2] =	stream.indirect_vreg.scatter [tilespmem:s16], [sflag:$0x1], $0x80, v4, vm0, $0xb8;
	[tilespmem:$0x10100] =	vst v63  }
0xb4: {  	_ = 	snop  }
0xb5: {  	[hbm4b:s3+s2] =	stream.indirect_vreg.scatter [tilespmem:s17], [sflag:$0x1], $0x80, v3, vm0, $0xb8;
	[tilespmem:$0x10100] =	vst v63  }
0xb6: {  	_ = 	snop  }
0xb7: {  	[hbm4b:s5+s2] =	stream.indirect_vreg.scatter [tilespmem:s18], [sflag:$0x1], $0x80, v3, vm0, $0xb8;
	[tilespmem:$0x10100] =	vst v63  }
0xb8: {  	_ = 	snop  }
0xb9: {  	[hbm4b:s6+s2] =	stream.indirect_vreg.scatter [tilespmem:s10], [sflag:$0x1], $0x80, v3, vm0, $0xb8;
	[tilespmem:$0x10100] =	vst v63  }
0xba: {  	s1 =	simm.s32 $0xB900  }
0xbb: {  	[hbm4b:s7+s2] =	stream.indirect_vreg.scatter [tilespmem:s1], [sflag:$0x1], $0x80, v3, vm0, $0xb8;
	[tilespmem:$0x10100] =	vst v63  }
0xbc: {  	v3 =	vld [tilespmem:$0xB0];
	_ =	sdelay $0x4  }
0xbd: {  	v63 =	vshll.u32 v3, $0x3  }
0xbe: {  	v3 =	vand.u32 $0x7, v3;
	v4 =	vand.u32 $0xFFFFFFC0, v63  }
0xbf: {  	v3 =	vor.u32 v3, v4  }
0xc0: {  	v4 =	vperm.xlane v3, v0;
	_ =	sdelay $0x1  }
0xc1: {  	v4 =	vadd.s32 v1, v4;
	_ =	sdelay $0x3  }
0xc2: {  	s20 =	simm.s32 $0xC100  }
0xc3: {  	[hbm4b:s3+s2] =	stream.indirect_vreg.scatter [tilespmem:s20], [sflag:$0x1], $0x80, v4, vm0, $0xb8;
	[tilespmem:$0x10100] =	vst v63  }
0xc4: {  	s21 =	simm.s32 $0xC900;
	v3 =	vperm.xlane v3, v2  }
0xc5: {  	[hbm4b:s5+s2] =	stream.indirect_vreg.scatter [tilespmem:s21], [sflag:$0x1], $0x80, v4, vm0, $0xb8;
	[tilespmem:$0x10100] =	vst v63  }
0xc6: {  	s1 =	simm.s32 $0xD100;
	v3 =	vadd.s32 v1, v3  }
0xc7: {  	[hbm4b:s6+s2] =	stream.indirect_vreg.scatter [tilespmem:s1], [sflag:$0x1], $0x80, v4, vm0, $0xb8;
	[tilespmem:$0x10100] =	vst v63  }
0xc8: {  	s20 =	simm.s32 $0xD900  }
0xc9: {  	[hbm4b:s7+s2] =	stream.indirect_vreg.scatter [tilespmem:s20], [sflag:$0x1], $0x80, v4, vm0, $0xb8;
	[tilespmem:$0x10100] =	vst v63  }
0xca: {  	s21 =	simm.s32 $0xE100  }
0xcb: {  	[hbm4b:s3+s2] =	stream.indirect_vreg.scatter [tilespmem:s21], [sflag:$0x1], $0x80, v3, vm0, $0xb8;
	[tilespmem:$0x10100] =	vst v63  }
0xcc: {  	s1 =	simm.s32 $0xE900  }
0xcd: {  	[hbm4b:s5+s2] =	stream.indirect_vreg.scatter [tilespmem:s1], [sflag:$0x1], $0x80, v3, vm0, $0xb8;
	[tilespmem:$0x10100] =	vst v63  }
0xce: {  	p0 =	sne.s32 s8, $0x1;
	s20 =	simm.s32 $0xF100  }
0xcf: {  	[hbm4b:s6+s2] =	stream.indirect_vreg.scatter [tilespmem:s20], [sflag:$0x1], $0x80, v3, vm0, $0xb8;
	[tilespmem:$0x10100] =	vst v63  }
.Ltmp0:
0xd0: {  	s21 =	simm.s32 $0xF900;
	(pc) =	sbr.rel @p0 .LBB2_1-.Ltmp0, $4  }
0xd1: {  	[hbm4b:s7+s2] =	stream.indirect_vreg.scatter [tilespmem:s21], [sflag:$0x1], $0x80, v3, vm0, $0xb8;
	[tilespmem:$0x10100] =	vst v63  }
0xd2: {  	_ =	swait.ge [sflag:s19], $0x10000  }
0xd3: {  	[sflag:s19] =	ssyncset.done $0x0  }
0xd4: {  	s8 =	sadd.s32 $0xFFFFFFFF, s8;
	[sflag:s19] =	ssyncadd.s32 $0xFFFF0000  }
0xd5: {  	_ =	sfence.sel $0x180000  }
0xd6: {  	[bflag:$0x0] =	sbarrier.arrive $0xFFFF  }
0xd7: {  	_ =	strace $0x90000047  }
0xd8: {  	s0 =	stileid.u32;
	[bflag:$0x2] =	sbarrier.arrive $0xFFFF  }
0xd9: {  	p0 =	sne.s32 s0, $0x0;
	s0 =	rddreg [dreg:$0x2]  }
0xda: {  	s0 =	sadd.s32 @!p0 $0x100000, s0  }
0xdb: {  	[sflag:s0] =	ssyncadd.tile.s32 @!p0 $0x1;
	_ =	shalt  }
.Lfunc_end2:
_tile_overlayer_lowered:
.L_overlay_start_2:
0xdc: {  	(tag) =	ssettag $0x2  }
0xdd: {  	s0 =	rddreg [dreg:$0x0];
	s2 =	stileid.u32  }
0xde: {  	s1 =	rddreg [dreg:$0x1];
	p0 =	sne.s32 s2, $0x0  }
0xdf: {  	s3 =	rddreg [dreg:$0x2];
	[bflag:$0x3] =	sbarrier.arrive $0xFFFF;
	s2 =	simm.s32 @!p0 $0x1C02  }
0xe0: {  	[timem:s3], [sflag:s2] =	dma.local @!p0 [hbm:s0], s1  }
0xe1: {  	s0 =	simm.s32 @!p0 $0x2  }
0xe2: {  	_ =	swait.ge @!p0 [sflag:s0], s1  }
0xe3: {  	s1 =	ssub.s32 @!p0 $0x0, s1;
	[sflag:s0] =	ssyncset.done @!p0 $0x0  }
0xe4: {  	[sflag:s0] =	ssyncadd.s32 @!p0 s1  }
0xe5: {  	[bflag:$0x3] =	sbarrier.arrive $0xFFFF  }
0xe6: {  	_ =	shalt  }

</sc_bundles>
